<compile_context>
chip_gen: v7x
topology: tpu7x:2x2x1
jax: 0.10.2.dev20260603
libtpu: 0.0.44.dev20260713+nightly
codegen_flags: <defaults>
</compile_context>

<pallas_src>
import functools

import jax
import jax.numpy as jnp
from jax import lax
from jax.experimental import pallas as pl
from jax.experimental.pallas import tpu as pltpu
from jax.experimental.pallas import tpu_sc as plsc

MAX_LEN = 2048
D_MODEL = 256
SEQ_LEN = 1024

_NUM_CORES = 2
_NUM_SUBCORES = 16
_RES = 8
_RES_PER_CORE = _RES // _NUM_CORES
_Q_PER_RES = SEQ_LEN // _RES
_SUB_PER_RES = _NUM_SUBCORES // _RES_PER_CORE
_Q_PER_WORKER = _Q_PER_RES // _SUB_PER_RES
_PLANE_ROWS = 2 * SEQ_LEN - _RES
_STRIPE = 512


@functools.partial(
    pl.kernel,
    out_type=jax.ShapeDtypeStruct((SEQ_LEN, SEQ_LEN, D_MODEL), jnp.float32),
    mesh=plsc.VectorSubcoreMesh(core_axis_name="c", subcore_axis_name="s"),
    scratch_types=[
        pltpu.VMEM_SHARED((_RES_PER_CORE, _PLANE_ROWS, D_MODEL), jnp.float32),
        pltpu.SemaphoreType.DMA,
    ],
)
def _rpe_copy(shifted_hbm, out_hbm, staged, sem):
    c = lax.axis_index("c")
    s = lax.axis_index("s")

    t_stage = s // _SUB_PER_RES
    off = jnp.minimum((s % _SUB_PER_RES) * _STRIPE, _PLANE_ROWS - _STRIPE)
    pltpu.sync_copy(
        shifted_hbm.at[c * _RES_PER_CORE + t_stage, pl.ds(off, _STRIPE), :],
        staged.at[t_stage, pl.ds(off, _STRIPE), :],
    )
    plsc.subcore_barrier()

    t = s % _RES_PER_CORE
    q0 = (s // _RES_PER_CORE) * _Q_PER_WORKER
    copies = []
    for m in range(_Q_PER_WORKER):
        q = q0 + m
        i = q * _RES + (c * _RES_PER_CORE + t)
        k0 = (SEQ_LEN - _RES) - q * _RES
        copies.append(pltpu.async_copy(
            staged.at[t, pl.ds(k0, SEQ_LEN), :],
            out_hbm.at[i],
            sem,
        ))
    for cp in copies:
        cp.wait()


def kernel(seq_len, embeddings):
    del seq_len
    shifted = jnp.stack([
        lax.slice(embeddings, (MAX_LEN // 2 + _RES - r, 0),
                  (MAX_LEN + SEQ_LEN - r, D_MODEL))
        for r in range(_RES)
    ])
    return _rpe_copy(shifted)

# --- scband reference (transcript-rebuilt; emitter-appended) ---
"""Pipeline reference for scband-relative-positional-encoding-72619307040851 (READ-ONLY COPY).

The authoritative reference and input builder live on the scoring server;
editing this copy changes nothing except your own understanding.
"""

import jax, jax.numpy as jnp
import numpy as np

MAX_LEN = 2048
D_MODEL = 256
SEQ_LEN = 1024

def setup_inputs(seed: int = 0) -> dict:
    key = jax.random.key(seed)
    k_emb, _ = jax.random.split(key)
    embeddings = jax.random.normal(k_emb, (2 * MAX_LEN + 1, D_MODEL), dtype=jnp.float32)
    return {"seq_len": 1024, "embeddings": embeddings}

def reference(seq_len, embeddings):
    positions = jnp.arange(SEQ_LEN) + (seq_len - seq_len)
    relative_positions = positions[None, :] - positions[:, None]
    relative_positions = jnp.clip(relative_positions, -MAX_LEN, MAX_LEN)
    relative_positions = relative_positions + MAX_LEN
    relative_pos_emb = jnp.take(embeddings, relative_positions, axis=0)
    return relative_pos_emb

if __name__ == "__main__":
    import jax
    _d = setup_inputs()
    print(jax.jit(kernel)(*tuple(_d.values())))

</pallas_src>

<mosaic_0001>
#map = affine_map<(d0, d1) -> (0, 0, 0)>
module attributes {stable_mosaic.version = 14 : i64} {
  func.func @_rpe_copy(%arg0: i32, %arg1: i32, %arg2: memref<8x2040x256xf32, #tpu.memory_space<hbm>>, %arg3: memref<1024x1024x256xf32, #tpu.memory_space<hbm>>, %arg4: memref<4x2040x256xf32, #tpu.memory_space<vmem_shared>>, %arg5: memref<!tpu.dma_semaphore, #tpu.memory_space<semaphore_mem>>) attributes {dimension_semantics = [#tpu.dimension_semantics<core_parallel>, #tpu.dimension_semantics<subcore_parallel>], iteration_bounds = array<i64: 2, 16>, scalar_prefetch = 0 : i64, scratch_operands = 2 : i64, tpu.core_type = #tpu.core_type<sc_vector_subcore>, window_params = [{transform_indices = #map}, {transform_indices = #map}]} {
    %jit3A = arith.constant 4 : i32
    %div3A = arith.divsi %arg1, %jit3A : i32
    %sign3A = arith.constant 0 : i32
    %sign3A_0 = arith.cmpi sgt, %arg1, %sign3A : i32
    %sign3A_1 = arith.extui %sign3A_0 : i1 to i32
    %sign3A_2 = arith.constant 0 : i32
    %sign3A_3 = arith.cmpi slt, %arg1, %sign3A_2 : i32
    %sign3A_4 = arith.extui %sign3A_3 : i1 to i32
    %sign3A_5 = arith.subi %sign3A_1, %sign3A_4 : i32
    %sign3A_6 = arith.constant 0 : i32
    %sign3A_7 = arith.cmpi sgt, %jit3A, %sign3A_6 : i32
    %sign3A_8 = arith.extui %sign3A_7 : i1 to i32
    %sign3A_9 = arith.constant 0 : i32
    %sign3A_10 = arith.cmpi slt, %jit3A, %sign3A_9 : i32
    %sign3A_11 = arith.extui %sign3A_10 : i1 to i32
    %sign3A_12 = arith.subi %sign3A_8, %sign3A_11 : i32
    %ne3A = arith.cmpi ne, %sign3A_5, %sign3A_12 : i32
    %rem3A = arith.remsi %arg1, %jit3A : i32
    %ne3A_13 = arith.constant 0 : i32
    %ne3A_14 = arith.cmpi ne, %rem3A, %ne3A_13 : i32
    %and3A = arith.andi %ne3A, %ne3A_14 : i1
    %sub3A = arith.constant 1 : i32
    %sub3A_15 = arith.subi %div3A, %sub3A : i32
    %select_n3A = arith.select %and3A, %sub3A_15, %div3A : i32
    %jit3A_16 = arith.constant 4 : i32
    %eq3A = arith.constant 0 : i32
    %eq3A_17 = arith.cmpi eq, %jit3A_16, %eq3A : i32
    %jit3A_18 = arith.constant 1 : i32
    %select_n3A_19 = arith.select %eq3A_17, %jit3A_18, %jit3A_16 : i32
    %rem3A_20 = arith.remsi %arg1, %select_n3A_19 : i32
    %ne3A_21 = arith.constant 0 : i32
    %ne3A_22 = arith.cmpi ne, %rem3A_20, %ne3A_21 : i32
    %lt3A = arith.constant 0 : i32
    %lt3A_23 = arith.cmpi slt, %rem3A_20, %lt3A : i32
    %lt3A_24 = arith.constant 0 : i32
    %lt3A_25 = arith.cmpi slt, %select_n3A_19, %lt3A_24 : i32
    %ne3A_26 = arith.xori %lt3A_23, %lt3A_25 : i1
    %and3A_27 = arith.andi %ne3A_26, %ne3A_22 : i1
    %add3A = arith.addi %rem3A_20, %select_n3A_19 : i32
    %select_n3A_28 = arith.select %and3A_27, %add3A, %rem3A_20 : i32
    %mul3A = arith.constant 512 : i32
    %mul3A_29 = arith.muli %select_n3A_28, %mul3A : i32
    %min3A = arith.constant 1528 : i32
    %min3A_30 = arith.minsi %mul3A_29, %min3A : i32
    %mul3A_31 = arith.constant 4 : i32
    %mul3A_32 = arith.muli %arg0, %mul3A_31 : i32
    %add3A_33 = arith.addi %mul3A_32, %select_n3A : i32
    "tpu.region"() ({
      %run_scoped3A = tpu.sem_alloc : memref<!tpu.dma_semaphore, #tpu.memory_space<semaphore_mem>>
      %dma_start3A_906 = arith.constant 0 : i32
      %dma_start3A_907 = tpu.memref_slice %arg4[%select_n3A, %min3A_30, %dma_start3A_906] : memref<4x2040x256xf32, #tpu.memory_space<vmem_shared>> -> memref<1x512x256xf32, #tpu.memory_space<vmem_shared>>
      %dma_start3A_908 = tpu.memref_squeeze %dma_start3A_907 : memref<1x512x256xf32, #tpu.memory_space<vmem_shared>> -> memref<512x256xf32, #tpu.memory_space<vmem_shared>>
      %dma_start3A_909 = arith.constant 0 : i32
      %dma_start3A_910 = tpu.memref_slice %arg2[%add3A_33, %min3A_30, %dma_start3A_909] : memref<8x2040x256xf32, #tpu.memory_space<hbm>> -> memref<1x512x256xf32, #tpu.memory_space<hbm>>
      %dma_start3A_911 = tpu.memref_squeeze %dma_start3A_910 : memref<1x512x256xf32, #tpu.memory_space<hbm>> -> memref<512x256xf32, #tpu.memory_space<hbm>>
      tpu.enqueue_dma source(%dma_start3A_911 : memref<512x256xf32, #tpu.memory_space<hbm>>) target(%dma_start3A_908 : memref<512x256xf32, #tpu.memory_space<vmem_shared>>) target_semaphore(%run_scoped3A : memref<!tpu.dma_semaphore, #tpu.memory_space<semaphore_mem>>)
      %dma_wait3A_912 = arith.constant 0 : i32
      %dma_wait3A_913 = tpu.memref_slice %arg4[%select_n3A, %min3A_30, %dma_wait3A_912] : memref<4x2040x256xf32, #tpu.memory_space<vmem_shared>> -> memref<1x512x256xf32, #tpu.memory_space<vmem_shared>>
      %dma_wait3A_914 = tpu.memref_squeeze %dma_wait3A_913 : memref<1x512x256xf32, #tpu.memory_space<vmem_shared>> -> memref<512x256xf32, #tpu.memory_space<vmem_shared>>
      %dma_wait3A_915 = arith.constant 0 : i32
      %dma_wait3A_916 = tpu.memref_slice %arg2[%add3A_33, %min3A_30, %dma_wait3A_915] : memref<8x2040x256xf32, #tpu.memory_space<hbm>> -> memref<1x512x256xf32, #tpu.memory_space<hbm>>
      %dma_wait3A_917 = tpu.memref_squeeze %dma_wait3A_916 : memref<1x512x256xf32, #tpu.memory_space<hbm>> -> memref<512x256xf32, #tpu.memory_space<hbm>>
      tpu.wait_dma2 semaphore(%run_scoped3A : memref<!tpu.dma_semaphore, #tpu.memory_space<semaphore_mem>>) src(%dma_wait3A_917 : memref<512x256xf32, #tpu.memory_space<hbm>>) dst(%dma_wait3A_914 : memref<512x256xf32, #tpu.memory_space<vmem_shared>>)
      tpu.yield
    }) : () -> ()
    %barrier3A = arith.constant 0 : index
    tpu.barrier barrier_id(%barrier3A)
    %jit3A_34 = arith.constant 4 : i32
    %eq3A_35 = arith.constant 0 : i32
    %eq3A_36 = arith.cmpi eq, %jit3A_34, %eq3A_35 : i32
    %jit3A_37 = arith.constant 1 : i32
    %select_n3A_38 = arith.select %eq3A_36, %jit3A_37, %jit3A_34 : i32
    %rem3A_39 = arith.remsi %arg1, %select_n3A_38 : i32
    %ne3A_40 = arith.constant 0 : i32
    %ne3A_41 = arith.cmpi ne, %rem3A_39, %ne3A_40 : i32
    %lt3A_42 = arith.constant 0 : i32
    %lt3A_43 = arith.cmpi slt, %rem3A_39, %lt3A_42 : i32
    %lt3A_44 = arith.constant 0 : i32
    %lt3A_45 = arith.cmpi slt, %select_n3A_38, %lt3A_44 : i32
    %ne3A_46 = arith.xori %lt3A_43, %lt3A_45 : i1
    %and3A_47 = arith.andi %ne3A_46, %ne3A_41 : i1
    %add3A_48 = arith.addi %rem3A_39, %select_n3A_38 : i32
    %select_n3A_49 = arith.select %and3A_47, %add3A_48, %rem3A_39 : i32
    %jit3A_50 = arith.constant 4 : i32
    %div3A_51 = arith.divsi %arg1, %jit3A_50 : i32
    %sign3A_52 = arith.constant 0 : i32
    %sign3A_53 = arith.cmpi sgt, %arg1, %sign3A_52 : i32
    %sign3A_54 = arith.extui %sign3A_53 : i1 to i32
    %sign3A_55 = arith.constant 0 : i32
    %sign3A_56 = arith.cmpi slt, %arg1, %sign3A_55 : i32
    %sign3A_57 = arith.extui %sign3A_56 : i1 to i32
    %sign3A_58 = arith.subi %sign3A_54, %sign3A_57 : i32
    %sign3A_59 = arith.constant 0 : i32
    %sign3A_60 = arith.cmpi sgt, %jit3A_50, %sign3A_59 : i32
    %sign3A_61 = arith.extui %sign3A_60 : i1 to i32
    %sign3A_62 = arith.constant 0 : i32
    %sign3A_63 = arith.cmpi slt, %jit3A_50, %sign3A_62 : i32
    %sign3A_64 = arith.extui %sign3A_63 : i1 to i32
    %sign3A_65 = arith.subi %sign3A_61, %sign3A_64 : i32
    %ne3A_66 = arith.cmpi ne, %sign3A_58, %sign3A_65 : i32
    %rem3A_67 = arith.remsi %arg1, %jit3A_50 : i32
    %ne3A_68 = arith.constant 0 : i32
    %ne3A_69 = arith.cmpi ne, %rem3A_67, %ne3A_68 : i32
    %and3A_70 = arith.andi %ne3A_66, %ne3A_69 : i1
    %sub3A_71 = arith.constant 1 : i32
    %sub3A_72 = arith.subi %div3A_51, %sub3A_71 : i32
    %select_n3A_73 = arith.select %and3A_70, %sub3A_72, %div3A_51 : i32
    %mul3A_74 = arith.constant 32 : i32
    %mul3A_75 = arith.muli %select_n3A_73, %mul3A_74 : i32
    %add3A_76 = arith.constant 0 : i32
    %add3A_77 = arith.addi %mul3A_75, %add3A_76 : i32
    %mul3A_78 = arith.constant 8 : i32
    %mul3A_79 = arith.muli %add3A_77, %mul3A_78 : i32
    %mul3A_80 = arith.constant 4 : i32
    %mul3A_81 = arith.muli %arg0, %mul3A_80 : i32
    %add3A_82 = arith.addi %mul3A_81, %select_n3A_49 : i32
    %add3A_83 = arith.addi %mul3A_79, %add3A_82 : i32
    %mul3A_84 = arith.constant 8 : i32
    %mul3A_85 = arith.muli %add3A_77, %mul3A_84 : i32
    %sub3A_86 = arith.constant 1016 : i32
    %sub3A_87 = arith.subi %sub3A_86, %mul3A_85 : i32
    %dma_start3A = arith.constant 0 : i32
    %dma_start3A_88 = arith.constant 0 : i32
    %dma_start3A_89 = tpu.memref_slice %arg3[%add3A_83, %dma_start3A, %dma_start3A_88] : memref<1024x1024x256xf32, #tpu.memory_space<hbm>> -> memref<1x1024x256xf32, #tpu.memory_space<hbm>>
    %dma_start3A_90 = tpu.memref_squeeze %dma_start3A_89 : memref<1x1024x256xf32, #tpu.memory_space<hbm>> -> memref<1024x256xf32, #tpu.memory_space<hbm>>
    %dma_start3A_91 = arith.constant 0 : i32
    %dma_start3A_92 = tpu.memref_slice %arg4[%select_n3A_49, %sub3A_87, %dma_start3A_91] : memref<4x2040x256xf32, #tpu.memory_space<vmem_shared>> -> memref<1x1024x256xf32, #tpu.memory_space<vmem_shared>>
    %dma_start3A_93 = tpu.memref_squeeze %dma_start3A_92 : memref<1x1024x256xf32, #tpu.memory_space<vmem_shared>> -> memref<1024x256xf32, #tpu.memory_space<vmem_shared>>
    tpu.enqueue_dma source(%dma_start3A_93 : memref<1024x256xf32, #tpu.memory_space<vmem_shared>>) target(%dma_start3A_90 : memref<1024x256xf32, #tpu.memory_space<hbm>>) target_semaphore(%arg5 : memref<!tpu.dma_semaphore, #tpu.memory_space<semaphore_mem>>)
    %add3A_94 = arith.constant 1 : i32
    %add3A_95 = arith.addi %mul3A_75, %add3A_94 : i32
    %mul3A_96 = arith.constant 8 : i32
    %mul3A_97 = arith.muli %add3A_95, %mul3A_96 : i32
    %mul3A_98 = arith.constant 4 : i32
    %mul3A_99 = arith.muli %arg0, %mul3A_98 : i32
    %add3A_100 = arith.addi %mul3A_99, %select_n3A_49 : i32
    %add3A_101 = arith.addi %mul3A_97, %add3A_100 : i32
    %mul3A_102 = arith.constant 8 : i32
    %mul3A_103 = arith.muli %add3A_95, %mul3A_102 : i32
    %sub3A_104 = arith.constant 1016 : i32
    %sub3A_105 = arith.subi %sub3A_104, %mul3A_103 : i32
    %dma_start3A_106 = arith.constant 0 : i32
    %dma_start3A_107 = arith.constant 0 : i32
    %dma_start3A_108 = tpu.memref_slice %arg3[%add3A_101, %dma_start3A_106, %dma_start3A_107] : memref<1024x1024x256xf32, #tpu.memory_space<hbm>> -> memref<1x1024x256xf32, #tpu.memory_space<hbm>>
    %dma_start3A_109 = tpu.memref_squeeze %dma_start3A_108 : memref<1x1024x256xf32, #tpu.memory_space<hbm>> -> memref<1024x256xf32, #tpu.memory_space<hbm>>
    %dma_start3A_110 = arith.constant 0 : i32
    %dma_start3A_111 = tpu.memref_slice %arg4[%select_n3A_49, %sub3A_105, %dma_start3A_110] : memref<4x2040x256xf32, #tpu.memory_space<vmem_shared>> -> memref<1x1024x256xf32, #tpu.memory_space<vmem_shared>>
    %dma_start3A_112 = tpu.memref_squeeze %dma_start3A_111 : memref<1x1024x256xf32, #tpu.memory_space<vmem_shared>> -> memref<1024x256xf32, #tpu.memory_space<vmem_shared>>
    tpu.enqueue_dma source(%dma_start3A_112 : memref<1024x256xf32, #tpu.memory_space<vmem_shared>>) target(%dma_start3A_109 : memref<1024x256xf32, #tpu.memory_space<hbm>>) target_semaphore(%arg5 : memref<!tpu.dma_semaphore, #tpu.memory_space<semaphore_mem>>)
    %add3A_113 = arith.constant 2 : i32
    %add3A_114 = arith.addi %mul3A_75, %add3A_113 : i32
    %mul3A_115 = arith.constant 8 : i32
    %mul3A_116 = arith.muli %add3A_114, %mul3A_115 : i32
    %mul3A_117 = arith.constant 4 : i32
    %mul3A_118 = arith.muli %arg0, %mul3A_117 : i32
    %add3A_119 = arith.addi %mul3A_118, %select_n3A_49 : i32
    %add3A_120 = arith.addi %mul3A_116, %add3A_119 : i32
    %mul3A_121 = arith.constant 8 : i32
    %mul3A_122 = arith.muli %add3A_114, %mul3A_121 : i32
    %sub3A_123 = arith.constant 1016 : i32
    %sub3A_124 = arith.subi %sub3A_123, %mul3A_122 : i32
    %dma_start3A_125 = arith.constant 0 : i32
    %dma_start3A_126 = arith.constant 0 : i32
    %dma_start3A_127 = tpu.memref_slice %arg3[%add3A_120, %dma_start3A_125, %dma_start3A_126] : memref<1024x1024x256xf32, #tpu.memory_space<hbm>> -> memref<1x1024x256xf32, #tpu.memory_space<hbm>>
    %dma_start3A_128 = tpu.memref_squeeze %dma_start3A_127 : memref<1x1024x256xf32, #tpu.memory_space<hbm>> -> memref<1024x256xf32, #tpu.memory_space<hbm>>
    %dma_start3A_129 = arith.constant 0 : i32
    %dma_start3A_130 = tpu.memref_slice %arg4[%select_n3A_49, %sub3A_124, %dma_start3A_129] : memref<4x2040x256xf32, #tpu.memory_space<vmem_shared>> -> memref<1x1024x256xf32, #tpu.memory_space<vmem_shared>>
    %dma_start3A_131 = tpu.memref_squeeze %dma_start3A_130 : memref<1x1024x256xf32, #tpu.memory_space<vmem_shared>> -> memref<1024x256xf32, #tpu.memory_space<vmem_shared>>
    tpu.enqueue_dma source(%dma_start3A_131 : memref<1024x256xf32, #tpu.memory_space<vmem_shared>>) target(%dma_start3A_128 : memref<1024x256xf32, #tpu.memory_space<hbm>>) target_semaphore(%arg5 : memref<!tpu.dma_semaphore, #tpu.memory_space<semaphore_mem>>)
    %add3A_132 = arith.constant 3 : i32
    %add3A_133 = arith.addi %mul3A_75, %add3A_132 : i32
    %mul3A_134 = arith.constant 8 : i32
    %mul3A_135 = arith.muli %add3A_133, %mul3A_134 : i32
    %mul3A_136 = arith.constant 4 : i32
    %mul3A_137 = arith.muli %arg0, %mul3A_136 : i32
    %add3A_138 = arith.addi %mul3A_137, %select_n3A_49 : i32
    %add3A_139 = arith.addi %mul3A_135, %add3A_138 : i32
    %mul3A_140 = arith.constant 8 : i32
    %mul3A_141 = arith.muli %add3A_133, %mul3A_140 : i32
    %sub3A_142 = arith.constant 1016 : i32
    %sub3A_143 = arith.subi %sub3A_142, %mul3A_141 : i32
    %dma_start3A_144 = arith.constant 0 : i32
    %dma_start3A_145 = arith.constant 0 : i32
    %dma_start3A_146 = tpu.memref_slice %arg3[%add3A_139, %dma_start3A_144, %dma_start3A_145] : memref<1024x1024x256xf32, #tpu.memory_space<hbm>> -> memref<1x1024x256xf32, #tpu.memory_space<hbm>>
    %dma_start3A_147 = tpu.memref_squeeze %dma_start3A_146 : memref<1x1024x256xf32, #tpu.memory_space<hbm>> -> memref<1024x256xf32, #tpu.memory_space<hbm>>
    %dma_start3A_148 = arith.constant 0 : i32
    %dma_start3A_149 = tpu.memref_slice %arg4[%select_n3A_49, %sub3A_143, %dma_start3A_148] : memref<4x2040x256xf32, #tpu.memory_space<vmem_shared>> -> memref<1x1024x256xf32, #tpu.memory_space<vmem_shared>>
    %dma_start3A_150 = tpu.memref_squeeze %dma_start3A_149 : memref<1x1024x256xf32, #tpu.memory_space<vmem_shared>> -> memref<1024x256xf32, #tpu.memory_space<vmem_shared>>
    tpu.enqueue_dma source(%dma_start3A_150 : memref<1024x256xf32, #tpu.memory_space<vmem_shared>>) target(%dma_start3A_147 : memref<1024x256xf32, #tpu.memory_space<hbm>>) target_semaphore(%arg5 : memref<!tpu.dma_semaphore, #tpu.memory_space<semaphore_mem>>)
    %add3A_151 = arith.constant 4 : i32
    %add3A_152 = arith.addi %mul3A_75, %add3A_151 : i32
    %mul3A_153 = arith.constant 8 : i32
    %mul3A_154 = arith.muli %add3A_152, %mul3A_153 : i32
    %mul3A_155 = arith.constant 4 : i32
    %mul3A_156 = arith.muli %arg0, %mul3A_155 : i32
    %add3A_157 = arith.addi %mul3A_156, %select_n3A_49 : i32
    %add3A_158 = arith.addi %mul3A_154, %add3A_157 : i32
    %mul3A_159 = arith.constant 8 : i32
    %mul3A_160 = arith.muli %add3A_152, %mul3A_159 : i32
    %sub3A_161 = arith.constant 1016 : i32
    %sub3A_162 = arith.subi %sub3A_161, %mul3A_160 : i32
    %dma_start3A_163 = arith.constant 0 : i32
    %dma_start3A_164 = arith.constant 0 : i32
    %dma_start3A_165 = tpu.memref_slice %arg3[%add3A_158, %dma_start3A_163, %dma_start3A_164] : memref<1024x1024x256xf32, #tpu.memory_space<hbm>> -> memref<1x1024x256xf32, #tpu.memory_space<hbm>>
    %dma_start3A_166 = tpu.memref_squeeze %dma_start3A_165 : memref<1x1024x256xf32, #tpu.memory_space<hbm>> -> memref<1024x256xf32, #tpu.memory_space<hbm>>
    %dma_start3A_167 = arith.constant 0 : i32
    %dma_start3A_168 = tpu.memref_slice %arg4[%select_n3A_49, %sub3A_162, %dma_start3A_167] : memref<4x2040x256xf32, #tpu.memory_space<vmem_shared>> -> memref<1x1024x256xf32, #tpu.memory_space<vmem_shared>>
    %dma_start3A_169 = tpu.memref_squeeze %dma_start3A_168 : memref<1x1024x256xf32, #tpu.memory_space<vmem_shared>> -> memref<1024x256xf32, #tpu.memory_space<vmem_shared>>
    tpu.enqueue_dma source(%dma_start3A_169 : memref<1024x256xf32, #tpu.memory_space<vmem_shared>>) target(%dma_start3A_166 : memref<1024x256xf32, #tpu.memory_space<hbm>>) target_semaphore(%arg5 : memref<!tpu.dma_semaphore, #tpu.memory_space<semaphore_mem>>)
    %add3A_170 = arith.constant 5 : i32
    %add3A_171 = arith.addi %mul3A_75, %add3A_170 : i32
    %mul3A_172 = arith.constant 8 : i32
    %mul3A_173 = arith.muli %add3A_171, %mul3A_172 : i32
    %mul3A_174 = arith.constant 4 : i32
    %mul3A_175 = arith.muli %arg0, %mul3A_174 : i32
    %add3A_176 = arith.addi %mul3A_175, %select_n3A_49 : i32
    %add3A_177 = arith.addi %mul3A_173, %add3A_176 : i32
    %mul3A_178 = arith.constant 8 : i32
    %mul3A_179 = arith.muli %add3A_171, %mul3A_178 : i32
    %sub3A_180 = arith.constant 1016 : i32
    %sub3A_181 = arith.subi %sub3A_180, %mul3A_179 : i32
    %dma_start3A_182 = arith.constant 0 : i32
    %dma_start3A_183 = arith.constant 0 : i32
    %dma_start3A_184 = tpu.memref_slice %arg3[%add3A_177, %dma_start3A_182, %dma_start3A_183] : memref<1024x1024x256xf32, #tpu.memory_space<hbm>> -> memref<1x1024x256xf32, #tpu.memory_space<hbm>>
    %dma_start3A_185 = tpu.memref_squeeze %dma_start3A_184 : memref<1x1024x256xf32, #tpu.memory_space<hbm>> -> memref<1024x256xf32, #tpu.memory_space<hbm>>
    %dma_start3A_186 = arith.constant 0 : i32
    %dma_start3A_187 = tpu.memref_slice %arg4[%select_n3A_49, %sub3A_181, %dma_start3A_186] : memref<4x2040x256xf32, #tpu.memory_space<vmem_shared>> -> memref<1x1024x256xf32, #tpu.memory_space<vmem_shared>>
    %dma_start3A_188 = tpu.memref_squeeze %dma_start3A_187 : memref<1x1024x256xf32, #tpu.memory_space<vmem_shared>> -> memref<1024x256xf32, #tpu.memory_space<vmem_shared>>
    tpu.enqueue_dma source(%dma_start3A_188 : memref<1024x256xf32, #tpu.memory_space<vmem_shared>>) target(%dma_start3A_185 : memref<1024x256xf32, #tpu.memory_space<hbm>>) target_semaphore(%arg5 : memref<!tpu.dma_semaphore, #tpu.memory_space<semaphore_mem>>)
    %add3A_189 = arith.constant 6 : i32
    %add3A_190 = arith.addi %mul3A_75, %add3A_189 : i32
    %mul3A_191 = arith.constant 8 : i32
    %mul3A_192 = arith.muli %add3A_190, %mul3A_191 : i32
    %mul3A_193 = arith.constant 4 : i32
    %mul3A_194 = arith.muli %arg0, %mul3A_193 : i32
    %add3A_195 = arith.addi %mul3A_194, %select_n3A_49 : i32
    %add3A_196 = arith.addi %mul3A_192, %add3A_195 : i32
    %mul3A_197 = arith.constant 8 : i32
    %mul3A_198 = arith.muli %add3A_190, %mul3A_197 : i32
    %sub3A_199 = arith.constant 1016 : i32
    %sub3A_200 = arith.subi %sub3A_199, %mul3A_198 : i32
    %dma_start3A_201 = arith.constant 0 : i32
    %dma_start3A_202 = arith.constant 0 : i32
    %dma_start3A_203 = tpu.memref_slice %arg3[%add3A_196, %dma_start3A_201, %dma_start3A_202] : memref<1024x1024x256xf32, #tpu.memory_space<hbm>> -> memref<1x1024x256xf32, #tpu.memory_space<hbm>>
    %dma_start3A_204 = tpu.memref_squeeze %dma_start3A_203 : memref<1x1024x256xf32, #tpu.memory_space<hbm>> -> memref<1024x256xf32, #tpu.memory_space<hbm>>
    %dma_start3A_205 = arith.constant 0 : i32
    %dma_start3A_206 = tpu.memref_slice %arg4[%select_n3A_49, %sub3A_200, %dma_start3A_205] : memref<4x2040x256xf32, #tpu.memory_space<vmem_shared>> -> memref<1x1024x256xf32, #tpu.memory_space<vmem_shared>>
    %dma_start3A_207 = tpu.memref_squeeze %dma_start3A_206 : memref<1x1024x256xf32, #tpu.memory_space<vmem_shared>> -> memref<1024x256xf32, #tpu.memory_space<vmem_shared>>
    tpu.enqueue_dma source(%dma_start3A_207 : memref<1024x256xf32, #tpu.memory_space<vmem_shared>>) target(%dma_start3A_204 : memref<1024x256xf32, #tpu.memory_space<hbm>>) target_semaphore(%arg5 : memref<!tpu.dma_semaphore, #tpu.memory_space<semaphore_mem>>)
    %add3A_208 = arith.constant 7 : i32
    %add3A_209 = arith.addi %mul3A_75, %add3A_208 : i32
    %mul3A_210 = arith.constant 8 : i32
    %mul3A_211 = arith.muli %add3A_209, %mul3A_210 : i32
    %mul3A_212 = arith.constant 4 : i32
    %mul3A_213 = arith.muli %arg0, %mul3A_212 : i32
    %add3A_214 = arith.addi %mul3A_213, %select_n3A_49 : i32
    %add3A_215 = arith.addi %mul3A_211, %add3A_214 : i32
    %mul3A_216 = arith.constant 8 : i32
    %mul3A_217 = arith.muli %add3A_209, %mul3A_216 : i32
    %sub3A_218 = arith.constant 1016 : i32
    %sub3A_219 = arith.subi %sub3A_218, %mul3A_217 : i32
    %dma_start3A_220 = arith.constant 0 : i32
    %dma_start3A_221 = arith.constant 0 : i32
    %dma_start3A_222 = tpu.memref_slice %arg3[%add3A_215, %dma_start3A_220, %dma_start3A_221] : memref<1024x1024x256xf32, #tpu.memory_space<hbm>> -> memref<1x1024x256xf32, #tpu.memory_space<hbm>>
    %dma_start3A_223 = tpu.memref_squeeze %dma_start3A_222 : memref<1x1024x256xf32, #tpu.memory_space<hbm>> -> memref<1024x256xf32, #tpu.memory_space<hbm>>
    %dma_start3A_224 = arith.constant 0 : i32
    %dma_start3A_225 = tpu.memref_slice %arg4[%select_n3A_49, %sub3A_219, %dma_start3A_224] : memref<4x2040x256xf32, #tpu.memory_space<vmem_shared>> -> memref<1x1024x256xf32, #tpu.memory_space<vmem_shared>>
    %dma_start3A_226 = tpu.memref_squeeze %dma_start3A_225 : memref<1x1024x256xf32, #tpu.memory_space<vmem_shared>> -> memref<1024x256xf32, #tpu.memory_space<vmem_shared>>
    tpu.enqueue_dma source(%dma_start3A_226 : memref<1024x256xf32, #tpu.memory_space<vmem_shared>>) target(%dma_start3A_223 : memref<1024x256xf32, #tpu.memory_space<hbm>>) target_semaphore(%arg5 : memref<!tpu.dma_semaphore, #tpu.memory_space<semaphore_mem>>)
    %add3A_227 = arith.constant 8 : i32
    %add3A_228 = arith.addi %mul3A_75, %add3A_227 : i32
    %mul3A_229 = arith.constant 8 : i32
    %mul3A_230 = arith.muli %add3A_228, %mul3A_229 : i32
    %mul3A_231 = arith.constant 4 : i32
    %mul3A_232 = arith.muli %arg0, %mul3A_231 : i32
    %add3A_233 = arith.addi %mul3A_232, %select_n3A_49 : i32
    %add3A_234 = arith.addi %mul3A_230, %add3A_233 : i32
    %mul3A_235 = arith.constant 8 : i32
    %mul3A_236 = arith.muli %add3A_228, %mul3A_235 : i32
    %sub3A_237 = arith.constant 1016 : i32
    %sub3A_238 = arith.subi %sub3A_237, %mul3A_236 : i32
    %dma_start3A_239 = arith.constant 0 : i32
    %dma_start3A_240 = arith.constant 0 : i32
    %dma_start3A_241 = tpu.memref_slice %arg3[%add3A_234, %dma_start3A_239, %dma_start3A_240] : memref<1024x1024x256xf32, #tpu.memory_space<hbm>> -> memref<1x1024x256xf32, #tpu.memory_space<hbm>>
    %dma_start3A_242 = tpu.memref_squeeze %dma_start3A_241 : memref<1x1024x256xf32, #tpu.memory_space<hbm>> -> memref<1024x256xf32, #tpu.memory_space<hbm>>
    %dma_start3A_243 = arith.constant 0 : i32
    %dma_start3A_244 = tpu.memref_slice %arg4[%select_n3A_49, %sub3A_238, %dma_start3A_243] : memref<4x2040x256xf32, #tpu.memory_space<vmem_shared>> -> memref<1x1024x256xf32, #tpu.memory_space<vmem_shared>>
    %dma_start3A_245 = tpu.memref_squeeze %dma_start3A_244 : memref<1x1024x256xf32, #tpu.memory_space<vmem_shared>> -> memref<1024x256xf32, #tpu.memory_space<vmem_shared>>
    tpu.enqueue_dma source(%dma_start3A_245 : memref<1024x256xf32, #tpu.memory_space<vmem_shared>>) target(%dma_start3A_242 : memref<1024x256xf32, #tpu.memory_space<hbm>>) target_semaphore(%arg5 : memref<!tpu.dma_semaphore, #tpu.memory_space<semaphore_mem>>)
    %add3A_246 = arith.constant 9 : i32
    %add3A_247 = arith.addi %mul3A_75, %add3A_246 : i32
    %mul3A_248 = arith.constant 8 : i32
    %mul3A_249 = arith.muli %add3A_247, %mul3A_248 : i32
    %mul3A_250 = arith.constant 4 : i32
    %mul3A_251 = arith.muli %arg0, %mul3A_250 : i32
    %add3A_252 = arith.addi %mul3A_251, %select_n3A_49 : i32
    %add3A_253 = arith.addi %mul3A_249, %add3A_252 : i32
    %mul3A_254 = arith.constant 8 : i32
    %mul3A_255 = arith.muli %add3A_247, %mul3A_254 : i32
    %sub3A_256 = arith.constant 1016 : i32
    %sub3A_257 = arith.subi %sub3A_256, %mul3A_255 : i32
    %dma_start3A_258 = arith.constant 0 : i32
    %dma_start3A_259 = arith.constant 0 : i32
    %dma_start3A_260 = tpu.memref_slice %arg3[%add3A_253, %dma_start3A_258, %dma_start3A_259] : memref<1024x1024x256xf32, #tpu.memory_space<hbm>> -> memref<1x1024x256xf32, #tpu.memory_space<hbm>>
    %dma_start3A_261 = tpu.memref_squeeze %dma_start3A_260 : memref<1x1024x256xf32, #tpu.memory_space<hbm>> -> memref<1024x256xf32, #tpu.memory_space<hbm>>
    %dma_start3A_262 = arith.constant 0 : i32
    %dma_start3A_263 = tpu.memref_slice %arg4[%select_n3A_49, %sub3A_257, %dma_start3A_262] : memref<4x2040x256xf32, #tpu.memory_space<vmem_shared>> -> memref<1x1024x256xf32, #tpu.memory_space<vmem_shared>>
    %dma_start3A_264 = tpu.memref_squeeze %dma_start3A_263 : memref<1x1024x256xf32, #tpu.memory_space<vmem_shared>> -> memref<1024x256xf32, #tpu.memory_space<vmem_shared>>
    tpu.enqueue_dma source(%dma_start3A_264 : memref<1024x256xf32, #tpu.memory_space<vmem_shared>>) target(%dma_start3A_261 : memref<1024x256xf32, #tpu.memory_space<hbm>>) target_semaphore(%arg5 : memref<!tpu.dma_semaphore, #tpu.memory_space<semaphore_mem>>)
    %add3A_265 = arith.constant 10 : i32
    %add3A_266 = arith.addi %mul3A_75, %add3A_265 : i32
    %mul3A_267 = arith.constant 8 : i32
    %mul3A_268 = arith.muli %add3A_266, %mul3A_267 : i32
    %mul3A_269 = arith.constant 4 : i32
    %mul3A_270 = arith.muli %arg0, %mul3A_269 : i32
    %add3A_271 = arith.addi %mul3A_270, %select_n3A_49 : i32
    %add3A_272 = arith.addi %mul3A_268, %add3A_271 : i32
    %mul3A_273 = arith.constant 8 : i32
    %mul3A_274 = arith.muli %add3A_266, %mul3A_273 : i32
    %sub3A_275 = arith.constant 1016 : i32
    %sub3A_276 = arith.subi %sub3A_275, %mul3A_274 : i32
    %dma_start3A_277 = arith.constant 0 : i32
    %dma_start3A_278 = arith.constant 0 : i32
    %dma_start3A_279 = tpu.memref_slice %arg3[%add3A_272, %dma_start3A_277, %dma_start3A_278] : memref<1024x1024x256xf32, #tpu.memory_space<hbm>> -> memref<1x1024x256xf32, #tpu.memory_space<hbm>>
    %dma_start3A_280 = tpu.memref_squeeze %dma_start3A_279 : memref<1x1024x256xf32, #tpu.memory_space<hbm>> -> memref<1024x256xf32, #tpu.memory_space<hbm>>
    %dma_start3A_281 = arith.constant 0 : i32
    %dma_start3A_282 = tpu.memref_slice %arg4[%select_n3A_49, %sub3A_276, %dma_start3A_281] : memref<4x2040x256xf32, #tpu.memory_space<vmem_shared>> -> memref<1x1024x256xf32, #tpu.memory_space<vmem_shared>>
    %dma_start3A_283 = tpu.memref_squeeze %dma_start3A_282 : memref<1x1024x256xf32, #tpu.memory_space<vmem_shared>> -> memref<1024x256xf32, #tpu.memory_space<vmem_shared>>
    tpu.enqueue_dma source(%dma_start3A_283 : memref<1024x256xf32, #tpu.memory_space<vmem_shared>>) target(%dma_start3A_280 : memref<1024x256xf32, #tpu.memory_space<hbm>>) target_semaphore(%arg5 : memref<!tpu.dma_semaphore, #tpu.memory_space<semaphore_mem>>)
    %add3A_284 = arith.constant 11 : i32
    %add3A_285 = arith.addi %mul3A_75, %add3A_284 : i32
    %mul3A_286 = arith.constant 8 : i32
    %mul3A_287 = arith.muli %add3A_285, %mul3A_286 : i32
    %mul3A_288 = arith.constant 4 : i32
    %mul3A_289 = arith.muli %arg0, %mul3A_288 : i32
    %add3A_290 = arith.addi %mul3A_289, %select_n3A_49 : i32
    %add3A_291 = arith.addi %mul3A_287, %add3A_290 : i32
    %mul3A_292 = arith.constant 8 : i32
    %mul3A_293 = arith.muli %add3A_285, %mul3A_292 : i32
    %sub3A_294 = arith.constant 1016 : i32
    %sub3A_295 = arith.subi %sub3A_294, %mul3A_293 : i32
    %dma_start3A_296 = arith.constant 0 : i32
    %dma_start3A_297 = arith.constant 0 : i32
    %dma_start3A_298 = tpu.memref_slice %arg3[%add3A_291, %dma_start3A_296, %dma_start3A_297] : memref<1024x1024x256xf32, #tpu.memory_space<hbm>> -> memref<1x1024x256xf32, #tpu.memory_space<hbm>>
    %dma_start3A_299 = tpu.memref_squeeze %dma_start3A_298 : memref<1x1024x256xf32, #tpu.memory_space<hbm>> -> memref<1024x256xf32, #tpu.memory_space<hbm>>
    %dma_start3A_300 = arith.constant 0 : i32
    %dma_start3A_301 = tpu.memref_slice %arg4[%select_n3A_49, %sub3A_295, %dma_start3A_300] : memref<4x2040x256xf32, #tpu.memory_space<vmem_shared>> -> memref<1x1024x256xf32, #tpu.memory_space<vmem_shared>>
    %dma_start3A_302 = tpu.memref_squeeze %dma_start3A_301 : memref<1x1024x256xf32, #tpu.memory_space<vmem_shared>> -> memref<1024x256xf32, #tpu.memory_space<vmem_shared>>
    tpu.enqueue_dma source(%dma_start3A_302 : memref<1024x256xf32, #tpu.memory_space<vmem_shared>>) target(%dma_start3A_299 : memref<1024x256xf32, #tpu.memory_space<hbm>>) target_semaphore(%arg5 : memref<!tpu.dma_semaphore, #tpu.memory_space<semaphore_mem>>)
    %add3A_303 = arith.constant 12 : i32
    %add3A_304 = arith.addi %mul3A_75, %add3A_303 : i32
    %mul3A_305 = arith.constant 8 : i32
    %mul3A_306 = arith.muli %add3A_304, %mul3A_305 : i32
    %mul3A_307 = arith.constant 4 : i32
    %mul3A_308 = arith.muli %arg0, %mul3A_307 : i32
    %add3A_309 = arith.addi %mul3A_308, %select_n3A_49 : i32
    %add3A_310 = arith.addi %mul3A_306, %add3A_309 : i32
    %mul3A_311 = arith.constant 8 : i32
    %mul3A_312 = arith.muli %add3A_304, %mul3A_311 : i32
    %sub3A_313 = arith.constant 1016 : i32
    %sub3A_314 = arith.subi %sub3A_313, %mul3A_312 : i32
    %dma_start3A_315 = arith.constant 0 : i32
    %dma_start3A_316 = arith.constant 0 : i32
    %dma_start3A_317 = tpu.memref_slice %arg3[%add3A_310, %dma_start3A_315, %dma_start3A_316] : memref<1024x1024x256xf32, #tpu.memory_space<hbm>> -> memref<1x1024x256xf32, #tpu.memory_space<hbm>>
    %dma_start3A_318 = tpu.memref_squeeze %dma_start3A_317 : memref<1x1024x256xf32, #tpu.memory_space<hbm>> -> memref<1024x256xf32, #tpu.memory_space<hbm>>
    %dma_start3A_319 = arith.constant 0 : i32
    %dma_start3A_320 = tpu.memref_slice %arg4[%select_n3A_49, %sub3A_314, %dma_start3A_319] : memref<4x2040x256xf32, #tpu.memory_space<vmem_shared>> -> memref<1x1024x256xf32, #tpu.memory_space<vmem_shared>>
    %dma_start3A_321 = tpu.memref_squeeze %dma_start3A_320 : memref<1x1024x256xf32, #tpu.memory_space<vmem_shared>> -> memref<1024x256xf32, #tpu.memory_space<vmem_shared>>
    tpu.enqueue_dma source(%dma_start3A_321 : memref<1024x256xf32, #tpu.memory_space<vmem_shared>>) target(%dma_start3A_318 : memref<1024x256xf32, #tpu.memory_space<hbm>>) target_semaphore(%arg5 : memref<!tpu.dma_semaphore, #tpu.memory_space<semaphore_mem>>)
    %add3A_322 = arith.constant 13 : i32
    %add3A_323 = arith.addi %mul3A_75, %add3A_322 : i32
    %mul3A_324 = arith.constant 8 : i32
    %mul3A_325 = arith.muli %add3A_323, %mul3A_324 : i32
    %mul3A_326 = arith.constant 4 : i32
    %mul3A_327 = arith.muli %arg0, %mul3A_326 : i32
    %add3A_328 = arith.addi %mul3A_327, %select_n3A_49 : i32
    %add3A_329 = arith.addi %mul3A_325, %add3A_328 : i32
    %mul3A_330 = arith.constant 8 : i32
    %mul3A_331 = arith.muli %add3A_323, %mul3A_330 : i32
    %sub3A_332 = arith.constant 1016 : i32
    %sub3A_333 = arith.subi %sub3A_332, %mul3A_331 : i32
    %dma_start3A_334 = arith.constant 0 : i32
    %dma_start3A_335 = arith.constant 0 : i32
    %dma_start3A_336 = tpu.memref_slice %arg3[%add3A_329, %dma_start3A_334, %dma_start3A_335] : memref<1024x1024x256xf32, #tpu.memory_space<hbm>> -> memref<1x1024x256xf32, #tpu.memory_space<hbm>>
    %dma_start3A_337 = tpu.memref_squeeze %dma_start3A_336 : memref<1x1024x256xf32, #tpu.memory_space<hbm>> -> memref<1024x256xf32, #tpu.memory_space<hbm>>
    %dma_start3A_338 = arith.constant 0 : i32
    %dma_start3A_339 = tpu.memref_slice %arg4[%select_n3A_49, %sub3A_333, %dma_start3A_338] : memref<4x2040x256xf32, #tpu.memory_space<vmem_shared>> -> memref<1x1024x256xf32, #tpu.memory_space<vmem_shared>>
    %dma_start3A_340 = tpu.memref_squeeze %dma_start3A_339 : memref<1x1024x256xf32, #tpu.memory_space<vmem_shared>> -> memref<1024x256xf32, #tpu.memory_space<vmem_shared>>
    tpu.enqueue_dma source(%dma_start3A_340 : memref<1024x256xf32, #tpu.memory_space<vmem_shared>>) target(%dma_start3A_337 : memref<1024x256xf32, #tpu.memory_space<hbm>>) target_semaphore(%arg5 : memref<!tpu.dma_semaphore, #tpu.memory_space<semaphore_mem>>)
    %add3A_341 = arith.constant 14 : i32
    %add3A_342 = arith.addi %mul3A_75, %add3A_341 : i32
    %mul3A_343 = arith.constant 8 : i32
    %mul3A_344 = arith.muli %add3A_342, %mul3A_343 : i32
    %mul3A_345 = arith.constant 4 : i32
    %mul3A_346 = arith.muli %arg0, %mul3A_345 : i32
    %add3A_347 = arith.addi %mul3A_346, %select_n3A_49 : i32
    %add3A_348 = arith.addi %mul3A_344, %add3A_347 : i32
    %mul3A_349 = arith.constant 8 : i32
    %mul3A_350 = arith.muli %add3A_342, %mul3A_349 : i32
    %sub3A_351 = arith.constant 1016 : i32
    %sub3A_352 = arith.subi %sub3A_351, %mul3A_350 : i32
    %dma_start3A_353 = arith.constant 0 : i32
    %dma_start3A_354 = arith.constant 0 : i32
    %dma_start3A_355 = tpu.memref_slice %arg3[%add3A_348, %dma_start3A_353, %dma_start3A_354] : memref<1024x1024x256xf32, #tpu.memory_space<hbm>> -> memref<1x1024x256xf32, #tpu.memory_space<hbm>>
    %dma_start3A_356 = tpu.memref_squeeze %dma_start3A_355 : memref<1x1024x256xf32, #tpu.memory_space<hbm>> -> memref<1024x256xf32, #tpu.memory_space<hbm>>
    %dma_start3A_357 = arith.constant 0 : i32
    %dma_start3A_358 = tpu.memref_slice %arg4[%select_n3A_49, %sub3A_352, %dma_start3A_357] : memref<4x2040x256xf32, #tpu.memory_space<vmem_shared>> -> memref<1x1024x256xf32, #tpu.memory_space<vmem_shared>>
    %dma_start3A_359 = tpu.memref_squeeze %dma_start3A_358 : memref<1x1024x256xf32, #tpu.memory_space<vmem_shared>> -> memref<1024x256xf32, #tpu.memory_space<vmem_shared>>
    tpu.enqueue_dma source(%dma_start3A_359 : memref<1024x256xf32, #tpu.memory_space<vmem_shared>>) target(%dma_start3A_356 : memref<1024x256xf32, #tpu.memory_space<hbm>>) target_semaphore(%arg5 : memref<!tpu.dma_semaphore, #tpu.memory_space<semaphore_mem>>)
    %add3A_360 = arith.constant 15 : i32
    %add3A_361 = arith.addi %mul3A_75, %add3A_360 : i32
    %mul3A_362 = arith.constant 8 : i32
    %mul3A_363 = arith.muli %add3A_361, %mul3A_362 : i32
    %mul3A_364 = arith.constant 4 : i32
    %mul3A_365 = arith.muli %arg0, %mul3A_364 : i32
    %add3A_366 = arith.addi %mul3A_365, %select_n3A_49 : i32
    %add3A_367 = arith.addi %mul3A_363, %add3A_366 : i32
    %mul3A_368 = arith.constant 8 : i32
    %mul3A_369 = arith.muli %add3A_361, %mul3A_368 : i32
    %sub3A_370 = arith.constant 1016 : i32
    %sub3A_371 = arith.subi %sub3A_370, %mul3A_369 : i32
    %dma_start3A_372 = arith.constant 0 : i32
    %dma_start3A_373 = arith.constant 0 : i32
    %dma_start3A_374 = tpu.memref_slice %arg3[%add3A_367, %dma_start3A_372, %dma_start3A_373] : memref<1024x1024x256xf32, #tpu.memory_space<hbm>> -> memref<1x1024x256xf32, #tpu.memory_space<hbm>>
    %dma_start3A_375 = tpu.memref_squeeze %dma_start3A_374 : memref<1x1024x256xf32, #tpu.memory_space<hbm>> -> memref<1024x256xf32, #tpu.memory_space<hbm>>
    %dma_start3A_376 = arith.constant 0 : i32
    %dma_start3A_377 = tpu.memref_slice %arg4[%select_n3A_49, %sub3A_371, %dma_start3A_376] : memref<4x2040x256xf32, #tpu.memory_space<vmem_shared>> -> memref<1x1024x256xf32, #tpu.memory_space<vmem_shared>>
    %dma_start3A_378 = tpu.memref_squeeze %dma_start3A_377 : memref<1x1024x256xf32, #tpu.memory_space<vmem_shared>> -> memref<1024x256xf32, #tpu.memory_space<vmem_shared>>
    tpu.enqueue_dma source(%dma_start3A_378 : memref<1024x256xf32, #tpu.memory_space<vmem_shared>>) target(%dma_start3A_375 : memref<1024x256xf32, #tpu.memory_space<hbm>>) target_semaphore(%arg5 : memref<!tpu.dma_semaphore, #tpu.memory_space<semaphore_mem>>)
    %add3A_379 = arith.constant 16 : i32
    %add3A_380 = arith.addi %mul3A_75, %add3A_379 : i32
    %mul3A_381 = arith.constant 8 : i32
    %mul3A_382 = arith.muli %add3A_380, %mul3A_381 : i32
    %mul3A_383 = arith.constant 4 : i32
    %mul3A_384 = arith.muli %arg0, %mul3A_383 : i32
    %add3A_385 = arith.addi %mul3A_384, %select_n3A_49 : i32
    %add3A_386 = arith.addi %mul3A_382, %add3A_385 : i32
    %mul3A_387 = arith.constant 8 : i32
    %mul3A_388 = arith.muli %add3A_380, %mul3A_387 : i32
    %sub3A_389 = arith.constant 1016 : i32
    %sub3A_390 = arith.subi %sub3A_389, %mul3A_388 : i32
    %dma_start3A_391 = arith.constant 0 : i32
    %dma_start3A_392 = arith.constant 0 : i32
    %dma_start3A_393 = tpu.memref_slice %arg3[%add3A_386, %dma_start3A_391, %dma_start3A_392] : memref<1024x1024x256xf32, #tpu.memory_space<hbm>> -> memref<1x1024x256xf32, #tpu.memory_space<hbm>>
    %dma_start3A_394 = tpu.memref_squeeze %dma_start3A_393 : memref<1x1024x256xf32, #tpu.memory_space<hbm>> -> memref<1024x256xf32, #tpu.memory_space<hbm>>
    %dma_start3A_395 = arith.constant 0 : i32
    %dma_start3A_396 = tpu.memref_slice %arg4[%select_n3A_49, %sub3A_390, %dma_start3A_395] : memref<4x2040x256xf32, #tpu.memory_space<vmem_shared>> -> memref<1x1024x256xf32, #tpu.memory_space<vmem_shared>>
    %dma_start3A_397 = tpu.memref_squeeze %dma_start3A_396 : memref<1x1024x256xf32, #tpu.memory_space<vmem_shared>> -> memref<1024x256xf32, #tpu.memory_space<vmem_shared>>
    tpu.enqueue_dma source(%dma_start3A_397 : memref<1024x256xf32, #tpu.memory_space<vmem_shared>>) target(%dma_start3A_394 : memref<1024x256xf32, #tpu.memory_space<hbm>>) target_semaphore(%arg5 : memref<!tpu.dma_semaphore, #tpu.memory_space<semaphore_mem>>)
    %add3A_398 = arith.constant 17 : i32
    %add3A_399 = arith.addi %mul3A_75, %add3A_398 : i32
    %mul3A_400 = arith.constant 8 : i32
    %mul3A_401 = arith.muli %add3A_399, %mul3A_400 : i32
    %mul3A_402 = arith.constant 4 : i32
    %mul3A_403 = arith.muli %arg0, %mul3A_402 : i32
    %add3A_404 = arith.addi %mul3A_403, %select_n3A_49 : i32
    %add3A_405 = arith.addi %mul3A_401, %add3A_404 : i32
    %mul3A_406 = arith.constant 8 : i32
    %mul3A_407 = arith.muli %add3A_399, %mul3A_406 : i32
    %sub3A_408 = arith.constant 1016 : i32
    %sub3A_409 = arith.subi %sub3A_408, %mul3A_407 : i32
    %dma_start3A_410 = arith.constant 0 : i32
    %dma_start3A_411 = arith.constant 0 : i32
    %dma_start3A_412 = tpu.memref_slice %arg3[%add3A_405, %dma_start3A_410, %dma_start3A_411] : memref<1024x1024x256xf32, #tpu.memory_space<hbm>> -> memref<1x1024x256xf32, #tpu.memory_space<hbm>>
    %dma_start3A_413 = tpu.memref_squeeze %dma_start3A_412 : memref<1x1024x256xf32, #tpu.memory_space<hbm>> -> memref<1024x256xf32, #tpu.memory_space<hbm>>
    %dma_start3A_414 = arith.constant 0 : i32
    %dma_start3A_415 = tpu.memref_slice %arg4[%select_n3A_49, %sub3A_409, %dma_start3A_414] : memref<4x2040x256xf32, #tpu.memory_space<vmem_shared>> -> memref<1x1024x256xf32, #tpu.memory_space<vmem_shared>>
    %dma_start3A_416 = tpu.memref_squeeze %dma_start3A_415 : memref<1x1024x256xf32, #tpu.memory_space<vmem_shared>> -> memref<1024x256xf32, #tpu.memory_space<vmem_shared>>
    tpu.enqueue_dma source(%dma_start3A_416 : memref<1024x256xf32, #tpu.memory_space<vmem_shared>>) target(%dma_start3A_413 : memref<1024x256xf32, #tpu.memory_space<hbm>>) target_semaphore(%arg5 : memref<!tpu.dma_semaphore, #tpu.memory_space<semaphore_mem>>)
    %add3A_417 = arith.constant 18 : i32
    %add3A_418 = arith.addi %mul3A_75, %add3A_417 : i32
    %mul3A_419 = arith.constant 8 : i32
    %mul3A_420 = arith.muli %add3A_418, %mul3A_419 : i32
    %mul3A_421 = arith.constant 4 : i32
    %mul3A_422 = arith.muli %arg0, %mul3A_421 : i32
    %add3A_423 = arith.addi %mul3A_422, %select_n3A_49 : i32
    %add3A_424 = arith.addi %mul3A_420, %add3A_423 : i32
    %mul3A_425 = arith.constant 8 : i32
    %mul3A_426 = arith.muli %add3A_418, %mul3A_425 : i32
    %sub3A_427 = arith.constant 1016 : i32
    %sub3A_428 = arith.subi %sub3A_427, %mul3A_426 : i32
    %dma_start3A_429 = arith.constant 0 : i32
    %dma_start3A_430 = arith.constant 0 : i32
    %dma_start3A_431 = tpu.memref_slice %arg3[%add3A_424, %dma_start3A_429, %dma_start3A_430] : memref<1024x1024x256xf32, #tpu.memory_space<hbm>> -> memref<1x1024x256xf32, #tpu.memory_space<hbm>>
    %dma_start3A_432 = tpu.memref_squeeze %dma_start3A_431 : memref<1x1024x256xf32, #tpu.memory_space<hbm>> -> memref<1024x256xf32, #tpu.memory_space<hbm>>
    %dma_start3A_433 = arith.constant 0 : i32
    %dma_start3A_434 = tpu.memref_slice %arg4[%select_n3A_49, %sub3A_428, %dma_start3A_433] : memref<4x2040x256xf32, #tpu.memory_space<vmem_shared>> -> memref<1x1024x256xf32, #tpu.memory_space<vmem_shared>>
    %dma_start3A_435 = tpu.memref_squeeze %dma_start3A_434 : memref<1x1024x256xf32, #tpu.memory_space<vmem_shared>> -> memref<1024x256xf32, #tpu.memory_space<vmem_shared>>
    tpu.enqueue_dma source(%dma_start3A_435 : memref<1024x256xf32, #tpu.memory_space<vmem_shared>>) target(%dma_start3A_432 : memref<1024x256xf32, #tpu.memory_space<hbm>>) target_semaphore(%arg5 : memref<!tpu.dma_semaphore, #tpu.memory_space<semaphore_mem>>)
    %add3A_436 = arith.constant 19 : i32
    %add3A_437 = arith.addi %mul3A_75, %add3A_436 : i32
    %mul3A_438 = arith.constant 8 : i32
    %mul3A_439 = arith.muli %add3A_437, %mul3A_438 : i32
    %mul3A_440 = arith.constant 4 : i32
    %mul3A_441 = arith.muli %arg0, %mul3A_440 : i32
    %add3A_442 = arith.addi %mul3A_441, %select_n3A_49 : i32
    %add3A_443 = arith.addi %mul3A_439, %add3A_442 : i32
    %mul3A_444 = arith.constant 8 : i32
    %mul3A_445 = arith.muli %add3A_437, %mul3A_444 : i32
    %sub3A_446 = arith.constant 1016 : i32
    %sub3A_447 = arith.subi %sub3A_446, %mul3A_445 : i32
    %dma_start3A_448 = arith.constant 0 : i32
    %dma_start3A_449 = arith.constant 0 : i32
    %dma_start3A_450 = tpu.memref_slice %arg3[%add3A_443, %dma_start3A_448, %dma_start3A_449] : memref<1024x1024x256xf32, #tpu.memory_space<hbm>> -> memref<1x1024x256xf32, #tpu.memory_space<hbm>>
    %dma_start3A_451 = tpu.memref_squeeze %dma_start3A_450 : memref<1x1024x256xf32, #tpu.memory_space<hbm>> -> memref<1024x256xf32, #tpu.memory_space<hbm>>
    %dma_start3A_452 = arith.constant 0 : i32
    %dma_start3A_453 = tpu.memref_slice %arg4[%select_n3A_49, %sub3A_447, %dma_start3A_452] : memref<4x2040x256xf32, #tpu.memory_space<vmem_shared>> -> memref<1x1024x256xf32, #tpu.memory_space<vmem_shared>>
    %dma_start3A_454 = tpu.memref_squeeze %dma_start3A_453 : memref<1x1024x256xf32, #tpu.memory_space<vmem_shared>> -> memref<1024x256xf32, #tpu.memory_space<vmem_shared>>
    tpu.enqueue_dma source(%dma_start3A_454 : memref<1024x256xf32, #tpu.memory_space<vmem_shared>>) target(%dma_start3A_451 : memref<1024x256xf32, #tpu.memory_space<hbm>>) target_semaphore(%arg5 : memref<!tpu.dma_semaphore, #tpu.memory_space<semaphore_mem>>)
    %add3A_455 = arith.constant 20 : i32
    %add3A_456 = arith.addi %mul3A_75, %add3A_455 : i32
    %mul3A_457 = arith.constant 8 : i32
    %mul3A_458 = arith.muli %add3A_456, %mul3A_457 : i32
    %mul3A_459 = arith.constant 4 : i32
    %mul3A_460 = arith.muli %arg0, %mul3A_459 : i32
    %add3A_461 = arith.addi %mul3A_460, %select_n3A_49 : i32
    %add3A_462 = arith.addi %mul3A_458, %add3A_461 : i32
    %mul3A_463 = arith.constant 8 : i32
    %mul3A_464 = arith.muli %add3A_456, %mul3A_463 : i32
    %sub3A_465 = arith.constant 1016 : i32
    %sub3A_466 = arith.subi %sub3A_465, %mul3A_464 : i32
    %dma_start3A_467 = arith.constant 0 : i32
    %dma_start3A_468 = arith.constant 0 : i32
    %dma_start3A_469 = tpu.memref_slice %arg3[%add3A_462, %dma_start3A_467, %dma_start3A_468] : memref<1024x1024x256xf32, #tpu.memory_space<hbm>> -> memref<1x1024x256xf32, #tpu.memory_space<hbm>>
    %dma_start3A_470 = tpu.memref_squeeze %dma_start3A_469 : memref<1x1024x256xf32, #tpu.memory_space<hbm>> -> memref<1024x256xf32, #tpu.memory_space<hbm>>
    %dma_start3A_471 = arith.constant 0 : i32
    %dma_start3A_472 = tpu.memref_slice %arg4[%select_n3A_49, %sub3A_466, %dma_start3A_471] : memref<4x2040x256xf32, #tpu.memory_space<vmem_shared>> -> memref<1x1024x256xf32, #tpu.memory_space<vmem_shared>>
    %dma_start3A_473 = tpu.memref_squeeze %dma_start3A_472 : memref<1x1024x256xf32, #tpu.memory_space<vmem_shared>> -> memref<1024x256xf32, #tpu.memory_space<vmem_shared>>
    tpu.enqueue_dma source(%dma_start3A_473 : memref<1024x256xf32, #tpu.memory_space<vmem_shared>>) target(%dma_start3A_470 : memref<1024x256xf32, #tpu.memory_space<hbm>>) target_semaphore(%arg5 : memref<!tpu.dma_semaphore, #tpu.memory_space<semaphore_mem>>)
    %add3A_474 = arith.constant 21 : i32
    %add3A_475 = arith.addi %mul3A_75, %add3A_474 : i32
    %mul3A_476 = arith.constant 8 : i32
    %mul3A_477 = arith.muli %add3A_475, %mul3A_476 : i32
    %mul3A_478 = arith.constant 4 : i32
    %mul3A_479 = arith.muli %arg0, %mul3A_478 : i32
    %add3A_480 = arith.addi %mul3A_479, %select_n3A_49 : i32
    %add3A_481 = arith.addi %mul3A_477, %add3A_480 : i32
    %mul3A_482 = arith.constant 8 : i32
    %mul3A_483 = arith.muli %add3A_475, %mul3A_482 : i32
    %sub3A_484 = arith.constant 1016 : i32
    %sub3A_485 = arith.subi %sub3A_484, %mul3A_483 : i32
    %dma_start3A_486 = arith.constant 0 : i32
    %dma_start3A_487 = arith.constant 0 : i32
    %dma_start3A_488 = tpu.memref_slice %arg3[%add3A_481, %dma_start3A_486, %dma_start3A_487] : memref<1024x1024x256xf32, #tpu.memory_space<hbm>> -> memref<1x1024x256xf32, #tpu.memory_space<hbm>>
    %dma_start3A_489 = tpu.memref_squeeze %dma_start3A_488 : memref<1x1024x256xf32, #tpu.memory_space<hbm>> -> memref<1024x256xf32, #tpu.memory_space<hbm>>
    %dma_start3A_490 = arith.constant 0 : i32
    %dma_start3A_491 = tpu.memref_slice %arg4[%select_n3A_49, %sub3A_485, %dma_start3A_490] : memref<4x2040x256xf32, #tpu.memory_space<vmem_shared>> -> memref<1x1024x256xf32, #tpu.memory_space<vmem_shared>>
    %dma_start3A_492 = tpu.memref_squeeze %dma_start3A_491 : memref<1x1024x256xf32, #tpu.memory_space<vmem_shared>> -> memref<1024x256xf32, #tpu.memory_space<vmem_shared>>
    tpu.enqueue_dma source(%dma_start3A_492 : memref<1024x256xf32, #tpu.memory_space<vmem_shared>>) target(%dma_start3A_489 : memref<1024x256xf32, #tpu.memory_space<hbm>>) target_semaphore(%arg5 : memref<!tpu.dma_semaphore, #tpu.memory_space<semaphore_mem>>)
    %add3A_493 = arith.constant 22 : i32
    %add3A_494 = arith.addi %mul3A_75, %add3A_493 : i32
    %mul3A_495 = arith.constant 8 : i32
    %mul3A_496 = arith.muli %add3A_494, %mul3A_495 : i32
    %mul3A_497 = arith.constant 4 : i32
    %mul3A_498 = arith.muli %arg0, %mul3A_497 : i32
    %add3A_499 = arith.addi %mul3A_498, %select_n3A_49 : i32
    %add3A_500 = arith.addi %mul3A_496, %add3A_499 : i32
    %mul3A_501 = arith.constant 8 : i32
    %mul3A_502 = arith.muli %add3A_494, %mul3A_501 : i32
    %sub3A_503 = arith.constant 1016 : i32
    %sub3A_504 = arith.subi %sub3A_503, %mul3A_502 : i32
    %dma_start3A_505 = arith.constant 0 : i32
    %dma_start3A_506 = arith.constant 0 : i32
    %dma_start3A_507 = tpu.memref_slice %arg3[%add3A_500, %dma_start3A_505, %dma_start3A_506] : memref<1024x1024x256xf32, #tpu.memory_space<hbm>> -> memref<1x1024x256xf32, #tpu.memory_space<hbm>>
    %dma_start3A_508 = tpu.memref_squeeze %dma_start3A_507 : memref<1x1024x256xf32, #tpu.memory_space<hbm>> -> memref<1024x256xf32, #tpu.memory_space<hbm>>
    %dma_start3A_509 = arith.constant 0 : i32
    %dma_start3A_510 = tpu.memref_slice %arg4[%select_n3A_49, %sub3A_504, %dma_start3A_509] : memref<4x2040x256xf32, #tpu.memory_space<vmem_shared>> -> memref<1x1024x256xf32, #tpu.memory_space<vmem_shared>>
    %dma_start3A_511 = tpu.memref_squeeze %dma_start3A_510 : memref<1x1024x256xf32, #tpu.memory_space<vmem_shared>> -> memref<1024x256xf32, #tpu.memory_space<vmem_shared>>
    tpu.enqueue_dma source(%dma_start3A_511 : memref<1024x256xf32, #tpu.memory_space<vmem_shared>>) target(%dma_start3A_508 : memref<1024x256xf32, #tpu.memory_space<hbm>>) target_semaphore(%arg5 : memref<!tpu.dma_semaphore, #tpu.memory_space<semaphore_mem>>)
    %add3A_512 = arith.constant 23 : i32
    %add3A_513 = arith.addi %mul3A_75, %add3A_512 : i32
    %mul3A_514 = arith.constant 8 : i32
    %mul3A_515 = arith.muli %add3A_513, %mul3A_514 : i32
    %mul3A_516 = arith.constant 4 : i32
    %mul3A_517 = arith.muli %arg0, %mul3A_516 : i32
    %add3A_518 = arith.addi %mul3A_517, %select_n3A_49 : i32
    %add3A_519 = arith.addi %mul3A_515, %add3A_518 : i32
    %mul3A_520 = arith.constant 8 : i32
    %mul3A_521 = arith.muli %add3A_513, %mul3A_520 : i32
    %sub3A_522 = arith.constant 1016 : i32
    %sub3A_523 = arith.subi %sub3A_522, %mul3A_521 : i32
    %dma_start3A_524 = arith.constant 0 : i32
    %dma_start3A_525 = arith.constant 0 : i32
    %dma_start3A_526 = tpu.memref_slice %arg3[%add3A_519, %dma_start3A_524, %dma_start3A_525] : memref<1024x1024x256xf32, #tpu.memory_space<hbm>> -> memref<1x1024x256xf32, #tpu.memory_space<hbm>>
    %dma_start3A_527 = tpu.memref_squeeze %dma_start3A_526 : memref<1x1024x256xf32, #tpu.memory_space<hbm>> -> memref<1024x256xf32, #tpu.memory_space<hbm>>
    %dma_start3A_528 = arith.constant 0 : i32
    %dma_start3A_529 = tpu.memref_slice %arg4[%select_n3A_49, %sub3A_523, %dma_start3A_528] : memref<4x2040x256xf32, #tpu.memory_space<vmem_shared>> -> memref<1x1024x256xf32, #tpu.memory_space<vmem_shared>>
    %dma_start3A_530 = tpu.memref_squeeze %dma_start3A_529 : memref<1x1024x256xf32, #tpu.memory_space<vmem_shared>> -> memref<1024x256xf32, #tpu.memory_space<vmem_shared>>
    tpu.enqueue_dma source(%dma_start3A_530 : memref<1024x256xf32, #tpu.memory_space<vmem_shared>>) target(%dma_start3A_527 : memref<1024x256xf32, #tpu.memory_space<hbm>>) target_semaphore(%arg5 : memref<!tpu.dma_semaphore, #tpu.memory_space<semaphore_mem>>)
    %add3A_531 = arith.constant 24 : i32
    %add3A_532 = arith.addi %mul3A_75, %add3A_531 : i32
    %mul3A_533 = arith.constant 8 : i32
    %mul3A_534 = arith.muli %add3A_532, %mul3A_533 : i32
    %mul3A_535 = arith.constant 4 : i32
    %mul3A_536 = arith.muli %arg0, %mul3A_535 : i32
    %add3A_537 = arith.addi %mul3A_536, %select_n3A_49 : i32
    %add3A_538 = arith.addi %mul3A_534, %add3A_537 : i32
    %mul3A_539 = arith.constant 8 : i32
    %mul3A_540 = arith.muli %add3A_532, %mul3A_539 : i32
    %sub3A_541 = arith.constant 1016 : i32
    %sub3A_542 = arith.subi %sub3A_541, %mul3A_540 : i32
    %dma_start3A_543 = arith.constant 0 : i32
    %dma_start3A_544 = arith.constant 0 : i32
    %dma_start3A_545 = tpu.memref_slice %arg3[%add3A_538, %dma_start3A_543, %dma_start3A_544] : memref<1024x1024x256xf32, #tpu.memory_space<hbm>> -> memref<1x1024x256xf32, #tpu.memory_space<hbm>>
    %dma_start3A_546 = tpu.memref_squeeze %dma_start3A_545 : memref<1x1024x256xf32, #tpu.memory_space<hbm>> -> memref<1024x256xf32, #tpu.memory_space<hbm>>
    %dma_start3A_547 = arith.constant 0 : i32
    %dma_start3A_548 = tpu.memref_slice %arg4[%select_n3A_49, %sub3A_542, %dma_start3A_547] : memref<4x2040x256xf32, #tpu.memory_space<vmem_shared>> -> memref<1x1024x256xf32, #tpu.memory_space<vmem_shared>>
    %dma_start3A_549 = tpu.memref_squeeze %dma_start3A_548 : memref<1x1024x256xf32, #tpu.memory_space<vmem_shared>> -> memref<1024x256xf32, #tpu.memory_space<vmem_shared>>
    tpu.enqueue_dma source(%dma_start3A_549 : memref<1024x256xf32, #tpu.memory_space<vmem_shared>>) target(%dma_start3A_546 : memref<1024x256xf32, #tpu.memory_space<hbm>>) target_semaphore(%arg5 : memref<!tpu.dma_semaphore, #tpu.memory_space<semaphore_mem>>)
    %add3A_550 = arith.constant 25 : i32
    %add3A_551 = arith.addi %mul3A_75, %add3A_550 : i32
    %mul3A_552 = arith.constant 8 : i32
    %mul3A_553 = arith.muli %add3A_551, %mul3A_552 : i32
    %mul3A_554 = arith.constant 4 : i32
    %mul3A_555 = arith.muli %arg0, %mul3A_554 : i32
    %add3A_556 = arith.addi %mul3A_555, %select_n3A_49 : i32
    %add3A_557 = arith.addi %mul3A_553, %add3A_556 : i32
    %mul3A_558 = arith.constant 8 : i32
    %mul3A_559 = arith.muli %add3A_551, %mul3A_558 : i32
    %sub3A_560 = arith.constant 1016 : i32
    %sub3A_561 = arith.subi %sub3A_560, %mul3A_559 : i32
    %dma_start3A_562 = arith.constant 0 : i32
    %dma_start3A_563 = arith.constant 0 : i32
    %dma_start3A_564 = tpu.memref_slice %arg3[%add3A_557, %dma_start3A_562, %dma_start3A_563] : memref<1024x1024x256xf32, #tpu.memory_space<hbm>> -> memref<1x1024x256xf32, #tpu.memory_space<hbm>>
    %dma_start3A_565 = tpu.memref_squeeze %dma_start3A_564 : memref<1x1024x256xf32, #tpu.memory_space<hbm>> -> memref<1024x256xf32, #tpu.memory_space<hbm>>
    %dma_start3A_566 = arith.constant 0 : i32
    %dma_start3A_567 = tpu.memref_slice %arg4[%select_n3A_49, %sub3A_561, %dma_start3A_566] : memref<4x2040x256xf32, #tpu.memory_space<vmem_shared>> -> memref<1x1024x256xf32, #tpu.memory_space<vmem_shared>>
    %dma_start3A_568 = tpu.memref_squeeze %dma_start3A_567 : memref<1x1024x256xf32, #tpu.memory_space<vmem_shared>> -> memref<1024x256xf32, #tpu.memory_space<vmem_shared>>
    tpu.enqueue_dma source(%dma_start3A_568 : memref<1024x256xf32, #tpu.memory_space<vmem_shared>>) target(%dma_start3A_565 : memref<1024x256xf32, #tpu.memory_space<hbm>>) target_semaphore(%arg5 : memref<!tpu.dma_semaphore, #tpu.memory_space<semaphore_mem>>)
    %add3A_569 = arith.constant 26 : i32
    %add3A_570 = arith.addi %mul3A_75, %add3A_569 : i32
    %mul3A_571 = arith.constant 8 : i32
    %mul3A_572 = arith.muli %add3A_570, %mul3A_571 : i32
    %mul3A_573 = arith.constant 4 : i32
    %mul3A_574 = arith.muli %arg0, %mul3A_573 : i32
    %add3A_575 = arith.addi %mul3A_574, %select_n3A_49 : i32
    %add3A_576 = arith.addi %mul3A_572, %add3A_575 : i32
    %mul3A_577 = arith.constant 8 : i32
    %mul3A_578 = arith.muli %add3A_570, %mul3A_577 : i32
    %sub3A_579 = arith.constant 1016 : i32
    %sub3A_580 = arith.subi %sub3A_579, %mul3A_578 : i32
    %dma_start3A_581 = arith.constant 0 : i32
    %dma_start3A_582 = arith.constant 0 : i32
    %dma_start3A_583 = tpu.memref_slice %arg3[%add3A_576, %dma_start3A_581, %dma_start3A_582] : memref<1024x1024x256xf32, #tpu.memory_space<hbm>> -> memref<1x1024x256xf32, #tpu.memory_space<hbm>>
    %dma_start3A_584 = tpu.memref_squeeze %dma_start3A_583 : memref<1x1024x256xf32, #tpu.memory_space<hbm>> -> memref<1024x256xf32, #tpu.memory_space<hbm>>
    %dma_start3A_585 = arith.constant 0 : i32
    %dma_start3A_586 = tpu.memref_slice %arg4[%select_n3A_49, %sub3A_580, %dma_start3A_585] : memref<4x2040x256xf32, #tpu.memory_space<vmem_shared>> -> memref<1x1024x256xf32, #tpu.memory_space<vmem_shared>>
    %dma_start3A_587 = tpu.memref_squeeze %dma_start3A_586 : memref<1x1024x256xf32, #tpu.memory_space<vmem_shared>> -> memref<1024x256xf32, #tpu.memory_space<vmem_shared>>
    tpu.enqueue_dma source(%dma_start3A_587 : memref<1024x256xf32, #tpu.memory_space<vmem_shared>>) target(%dma_start3A_584 : memref<1024x256xf32, #tpu.memory_space<hbm>>) target_semaphore(%arg5 : memref<!tpu.dma_semaphore, #tpu.memory_space<semaphore_mem>>)
    %add3A_588 = arith.constant 27 : i32
    %add3A_589 = arith.addi %mul3A_75, %add3A_588 : i32
    %mul3A_590 = arith.constant 8 : i32
    %mul3A_591 = arith.muli %add3A_589, %mul3A_590 : i32
    %mul3A_592 = arith.constant 4 : i32
    %mul3A_593 = arith.muli %arg0, %mul3A_592 : i32
    %add3A_594 = arith.addi %mul3A_593, %select_n3A_49 : i32
    %add3A_595 = arith.addi %mul3A_591, %add3A_594 : i32
    %mul3A_596 = arith.constant 8 : i32
    %mul3A_597 = arith.muli %add3A_589, %mul3A_596 : i32
    %sub3A_598 = arith.constant 1016 : i32
    %sub3A_599 = arith.subi %sub3A_598, %mul3A_597 : i32
    %dma_start3A_600 = arith.constant 0 : i32
    %dma_start3A_601 = arith.constant 0 : i32
    %dma_start3A_602 = tpu.memref_slice %arg3[%add3A_595, %dma_start3A_600, %dma_start3A_601] : memref<1024x1024x256xf32, #tpu.memory_space<hbm>> -> memref<1x1024x256xf32, #tpu.memory_space<hbm>>
    %dma_start3A_603 = tpu.memref_squeeze %dma_start3A_602 : memref<1x1024x256xf32, #tpu.memory_space<hbm>> -> memref<1024x256xf32, #tpu.memory_space<hbm>>
    %dma_start3A_604 = arith.constant 0 : i32
    %dma_start3A_605 = tpu.memref_slice %arg4[%select_n3A_49, %sub3A_599, %dma_start3A_604] : memref<4x2040x256xf32, #tpu.memory_space<vmem_shared>> -> memref<1x1024x256xf32, #tpu.memory_space<vmem_shared>>
    %dma_start3A_606 = tpu.memref_squeeze %dma_start3A_605 : memref<1x1024x256xf32, #tpu.memory_space<vmem_shared>> -> memref<1024x256xf32, #tpu.memory_space<vmem_shared>>
    tpu.enqueue_dma source(%dma_start3A_606 : memref<1024x256xf32, #tpu.memory_space<vmem_shared>>) target(%dma_start3A_603 : memref<1024x256xf32, #tpu.memory_space<hbm>>) target_semaphore(%arg5 : memref<!tpu.dma_semaphore, #tpu.memory_space<semaphore_mem>>)
    %add3A_607 = arith.constant 28 : i32
    %add3A_608 = arith.addi %mul3A_75, %add3A_607 : i32
    %mul3A_609 = arith.constant 8 : i32
    %mul3A_610 = arith.muli %add3A_608, %mul3A_609 : i32
    %mul3A_611 = arith.constant 4 : i32
    %mul3A_612 = arith.muli %arg0, %mul3A_611 : i32
    %add3A_613 = arith.addi %mul3A_612, %select_n3A_49 : i32
    %add3A_614 = arith.addi %mul3A_610, %add3A_613 : i32
    %mul3A_615 = arith.constant 8 : i32
    %mul3A_616 = arith.muli %add3A_608, %mul3A_615 : i32
    %sub3A_617 = arith.constant 1016 : i32
    %sub3A_618 = arith.subi %sub3A_617, %mul3A_616 : i32
    %dma_start3A_619 = arith.constant 0 : i32
    %dma_start3A_620 = arith.constant 0 : i32
    %dma_start3A_621 = tpu.memref_slice %arg3[%add3A_614, %dma_start3A_619, %dma_start3A_620] : memref<1024x1024x256xf32, #tpu.memory_space<hbm>> -> memref<1x1024x256xf32, #tpu.memory_space<hbm>>
    %dma_start3A_622 = tpu.memref_squeeze %dma_start3A_621 : memref<1x1024x256xf32, #tpu.memory_space<hbm>> -> memref<1024x256xf32, #tpu.memory_space<hbm>>
    %dma_start3A_623 = arith.constant 0 : i32
    %dma_start3A_624 = tpu.memref_slice %arg4[%select_n3A_49, %sub3A_618, %dma_start3A_623] : memref<4x2040x256xf32, #tpu.memory_space<vmem_shared>> -> memref<1x1024x256xf32, #tpu.memory_space<vmem_shared>>
    %dma_start3A_625 = tpu.memref_squeeze %dma_start3A_624 : memref<1x1024x256xf32, #tpu.memory_space<vmem_shared>> -> memref<1024x256xf32, #tpu.memory_space<vmem_shared>>
    tpu.enqueue_dma source(%dma_start3A_625 : memref<1024x256xf32, #tpu.memory_space<vmem_shared>>) target(%dma_start3A_622 : memref<1024x256xf32, #tpu.memory_space<hbm>>) target_semaphore(%arg5 : memref<!tpu.dma_semaphore, #tpu.memory_space<semaphore_mem>>)
    %add3A_626 = arith.constant 29 : i32
    %add3A_627 = arith.addi %mul3A_75, %add3A_626 : i32
    %mul3A_628 = arith.constant 8 : i32
    %mul3A_629 = arith.muli %add3A_627, %mul3A_628 : i32
    %mul3A_630 = arith.constant 4 : i32
    %mul3A_631 = arith.muli %arg0, %mul3A_630 : i32
    %add3A_632 = arith.addi %mul3A_631, %select_n3A_49 : i32
    %add3A_633 = arith.addi %mul3A_629, %add3A_632 : i32
    %mul3A_634 = arith.constant 8 : i32
    %mul3A_635 = arith.muli %add3A_627, %mul3A_634 : i32
    %sub3A_636 = arith.constant 1016 : i32
    %sub3A_637 = arith.subi %sub3A_636, %mul3A_635 : i32
    %dma_start3A_638 = arith.constant 0 : i32
    %dma_start3A_639 = arith.constant 0 : i32
    %dma_start3A_640 = tpu.memref_slice %arg3[%add3A_633, %dma_start3A_638, %dma_start3A_639] : memref<1024x1024x256xf32, #tpu.memory_space<hbm>> -> memref<1x1024x256xf32, #tpu.memory_space<hbm>>
    %dma_start3A_641 = tpu.memref_squeeze %dma_start3A_640 : memref<1x1024x256xf32, #tpu.memory_space<hbm>> -> memref<1024x256xf32, #tpu.memory_space<hbm>>
    %dma_start3A_642 = arith.constant 0 : i32
    %dma_start3A_643 = tpu.memref_slice %arg4[%select_n3A_49, %sub3A_637, %dma_start3A_642] : memref<4x2040x256xf32, #tpu.memory_space<vmem_shared>> -> memref<1x1024x256xf32, #tpu.memory_space<vmem_shared>>
    %dma_start3A_644 = tpu.memref_squeeze %dma_start3A_643 : memref<1x1024x256xf32, #tpu.memory_space<vmem_shared>> -> memref<1024x256xf32, #tpu.memory_space<vmem_shared>>
    tpu.enqueue_dma source(%dma_start3A_644 : memref<1024x256xf32, #tpu.memory_space<vmem_shared>>) target(%dma_start3A_641 : memref<1024x256xf32, #tpu.memory_space<hbm>>) target_semaphore(%arg5 : memref<!tpu.dma_semaphore, #tpu.memory_space<semaphore_mem>>)
    %add3A_645 = arith.constant 30 : i32
    %add3A_646 = arith.addi %mul3A_75, %add3A_645 : i32
    %mul3A_647 = arith.constant 8 : i32
    %mul3A_648 = arith.muli %add3A_646, %mul3A_647 : i32
    %mul3A_649 = arith.constant 4 : i32
    %mul3A_650 = arith.muli %arg0, %mul3A_649 : i32
    %add3A_651 = arith.addi %mul3A_650, %select_n3A_49 : i32
    %add3A_652 = arith.addi %mul3A_648, %add3A_651 : i32
    %mul3A_653 = arith.constant 8 : i32
    %mul3A_654 = arith.muli %add3A_646, %mul3A_653 : i32
    %sub3A_655 = arith.constant 1016 : i32
    %sub3A_656 = arith.subi %sub3A_655, %mul3A_654 : i32
    %dma_start3A_657 = arith.constant 0 : i32
    %dma_start3A_658 = arith.constant 0 : i32
    %dma_start3A_659 = tpu.memref_slice %arg3[%add3A_652, %dma_start3A_657, %dma_start3A_658] : memref<1024x1024x256xf32, #tpu.memory_space<hbm>> -> memref<1x1024x256xf32, #tpu.memory_space<hbm>>
    %dma_start3A_660 = tpu.memref_squeeze %dma_start3A_659 : memref<1x1024x256xf32, #tpu.memory_space<hbm>> -> memref<1024x256xf32, #tpu.memory_space<hbm>>
    %dma_start3A_661 = arith.constant 0 : i32
    %dma_start3A_662 = tpu.memref_slice %arg4[%select_n3A_49, %sub3A_656, %dma_start3A_661] : memref<4x2040x256xf32, #tpu.memory_space<vmem_shared>> -> memref<1x1024x256xf32, #tpu.memory_space<vmem_shared>>
    %dma_start3A_663 = tpu.memref_squeeze %dma_start3A_662 : memref<1x1024x256xf32, #tpu.memory_space<vmem_shared>> -> memref<1024x256xf32, #tpu.memory_space<vmem_shared>>
    tpu.enqueue_dma source(%dma_start3A_663 : memref<1024x256xf32, #tpu.memory_space<vmem_shared>>) target(%dma_start3A_660 : memref<1024x256xf32, #tpu.memory_space<hbm>>) target_semaphore(%arg5 : memref<!tpu.dma_semaphore, #tpu.memory_space<semaphore_mem>>)
    %add3A_664 = arith.constant 31 : i32
    %add3A_665 = arith.addi %mul3A_75, %add3A_664 : i32
    %mul3A_666 = arith.constant 8 : i32
    %mul3A_667 = arith.muli %add3A_665, %mul3A_666 : i32
    %mul3A_668 = arith.constant 4 : i32
    %mul3A_669 = arith.muli %arg0, %mul3A_668 : i32
    %add3A_670 = arith.addi %mul3A_669, %select_n3A_49 : i32
    %add3A_671 = arith.addi %mul3A_667, %add3A_670 : i32
    %mul3A_672 = arith.constant 8 : i32
    %mul3A_673 = arith.muli %add3A_665, %mul3A_672 : i32
    %sub3A_674 = arith.constant 1016 : i32
    %sub3A_675 = arith.subi %sub3A_674, %mul3A_673 : i32
    %dma_start3A_676 = arith.constant 0 : i32
    %dma_start3A_677 = arith.constant 0 : i32
    %dma_start3A_678 = tpu.memref_slice %arg3[%add3A_671, %dma_start3A_676, %dma_start3A_677] : memref<1024x1024x256xf32, #tpu.memory_space<hbm>> -> memref<1x1024x256xf32, #tpu.memory_space<hbm>>
    %dma_start3A_679 = tpu.memref_squeeze %dma_start3A_678 : memref<1x1024x256xf32, #tpu.memory_space<hbm>> -> memref<1024x256xf32, #tpu.memory_space<hbm>>
    %dma_start3A_680 = arith.constant 0 : i32
    %dma_start3A_681 = tpu.memref_slice %arg4[%select_n3A_49, %sub3A_675, %dma_start3A_680] : memref<4x2040x256xf32, #tpu.memory_space<vmem_shared>> -> memref<1x1024x256xf32, #tpu.memory_space<vmem_shared>>
    %dma_start3A_682 = tpu.memref_squeeze %dma_start3A_681 : memref<1x1024x256xf32, #tpu.memory_space<vmem_shared>> -> memref<1024x256xf32, #tpu.memory_space<vmem_shared>>
    tpu.enqueue_dma source(%dma_start3A_682 : memref<1024x256xf32, #tpu.memory_space<vmem_shared>>) target(%dma_start3A_679 : memref<1024x256xf32, #tpu.memory_space<hbm>>) target_semaphore(%arg5 : memref<!tpu.dma_semaphore, #tpu.memory_space<semaphore_mem>>)
    %dma_wait3A = arith.constant 0 : i32
    %dma_wait3A_683 = arith.constant 0 : i32
    %dma_wait3A_684 = tpu.memref_slice %arg3[%add3A_83, %dma_wait3A, %dma_wait3A_683] : memref<1024x1024x256xf32, #tpu.memory_space<hbm>> -> memref<1x1024x256xf32, #tpu.memory_space<hbm>>
    %dma_wait3A_685 = tpu.memref_squeeze %dma_wait3A_684 : memref<1x1024x256xf32, #tpu.memory_space<hbm>> -> memref<1024x256xf32, #tpu.memory_space<hbm>>
    %dma_wait3A_686 = arith.constant 0 : i32
    %dma_wait3A_687 = tpu.memref_slice %arg4[%select_n3A_49, %sub3A_87, %dma_wait3A_686] : memref<4x2040x256xf32, #tpu.memory_space<vmem_shared>> -> memref<1x1024x256xf32, #tpu.memory_space<vmem_shared>>
    %dma_wait3A_688 = tpu.memref_squeeze %dma_wait3A_687 : memref<1x1024x256xf32, #tpu.memory_space<vmem_shared>> -> memref<1024x256xf32, #tpu.memory_space<vmem_shared>>
    tpu.wait_dma2 semaphore(%arg5 : memref<!tpu.dma_semaphore, #tpu.memory_space<semaphore_mem>>) src(%dma_wait3A_688 : memref<1024x256xf32, #tpu.memory_space<vmem_shared>>) dst(%dma_wait3A_685 : memref<1024x256xf32, #tpu.memory_space<hbm>>)
    %dma_wait3A_689 = arith.constant 0 : i32
    %dma_wait3A_690 = arith.constant 0 : i32
    %dma_wait3A_691 = tpu.memref_slice %arg3[%add3A_101, %dma_wait3A_689, %dma_wait3A_690] : memref<1024x1024x256xf32, #tpu.memory_space<hbm>> -> memref<1x1024x256xf32, #tpu.memory_space<hbm>>
    %dma_wait3A_692 = tpu.memref_squeeze %dma_wait3A_691 : memref<1x1024x256xf32, #tpu.memory_space<hbm>> -> memref<1024x256xf32, #tpu.memory_space<hbm>>
    %dma_wait3A_693 = arith.constant 0 : i32
    %dma_wait3A_694 = tpu.memref_slice %arg4[%select_n3A_49, %sub3A_105, %dma_wait3A_693] : memref<4x2040x256xf32, #tpu.memory_space<vmem_shared>> -> memref<1x1024x256xf32, #tpu.memory_space<vmem_shared>>
    %dma_wait3A_695 = tpu.memref_squeeze %dma_wait3A_694 : memref<1x1024x256xf32, #tpu.memory_space<vmem_shared>> -> memref<1024x256xf32, #tpu.memory_space<vmem_shared>>
    tpu.wait_dma2 semaphore(%arg5 : memref<!tpu.dma_semaphore, #tpu.memory_space<semaphore_mem>>) src(%dma_wait3A_695 : memref<1024x256xf32, #tpu.memory_space<vmem_shared>>) dst(%dma_wait3A_692 : memref<1024x256xf32, #tpu.memory_space<hbm>>)
    %dma_wait3A_696 = arith.constant 0 : i32
    %dma_wait3A_697 = arith.constant 0 : i32
    %dma_wait3A_698 = tpu.memref_slice %arg3[%add3A_120, %dma_wait3A_696, %dma_wait3A_697] : memref<1024x1024x256xf32, #tpu.memory_space<hbm>> -> memref<1x1024x256xf32, #tpu.memory_space<hbm>>
    %dma_wait3A_699 = tpu.memref_squeeze %dma_wait3A_698 : memref<1x1024x256xf32, #tpu.memory_space<hbm>> -> memref<1024x256xf32, #tpu.memory_space<hbm>>
    %dma_wait3A_700 = arith.constant 0 : i32
    %dma_wait3A_701 = tpu.memref_slice %arg4[%select_n3A_49, %sub3A_124, %dma_wait3A_700] : memref<4x2040x256xf32, #tpu.memory_space<vmem_shared>> -> memref<1x1024x256xf32, #tpu.memory_space<vmem_shared>>
    %dma_wait3A_702 = tpu.memref_squeeze %dma_wait3A_701 : memref<1x1024x256xf32, #tpu.memory_space<vmem_shared>> -> memref<1024x256xf32, #tpu.memory_space<vmem_shared>>
    tpu.wait_dma2 semaphore(%arg5 : memref<!tpu.dma_semaphore, #tpu.memory_space<semaphore_mem>>) src(%dma_wait3A_702 : memref<1024x256xf32, #tpu.memory_space<vmem_shared>>) dst(%dma_wait3A_699 : memref<1024x256xf32, #tpu.memory_space<hbm>>)
    %dma_wait3A_703 = arith.constant 0 : i32
    %dma_wait3A_704 = arith.constant 0 : i32
    %dma_wait3A_705 = tpu.memref_slice %arg3[%add3A_139, %dma_wait3A_703, %dma_wait3A_704] : memref<1024x1024x256xf32, #tpu.memory_space<hbm>> -> memref<1x1024x256xf32, #tpu.memory_space<hbm>>
    %dma_wait3A_706 = tpu.memref_squeeze %dma_wait3A_705 : memref<1x1024x256xf32, #tpu.memory_space<hbm>> -> memref<1024x256xf32, #tpu.memory_space<hbm>>
    %dma_wait3A_707 = arith.constant 0 : i32
    %dma_wait3A_708 = tpu.memref_slice %arg4[%select_n3A_49, %sub3A_143, %dma_wait3A_707] : memref<4x2040x256xf32, #tpu.memory_space<vmem_shared>> -> memref<1x1024x256xf32, #tpu.memory_space<vmem_shared>>
    %dma_wait3A_709 = tpu.memref_squeeze %dma_wait3A_708 : memref<1x1024x256xf32, #tpu.memory_space<vmem_shared>> -> memref<1024x256xf32, #tpu.memory_space<vmem_shared>>
    tpu.wait_dma2 semaphore(%arg5 : memref<!tpu.dma_semaphore, #tpu.memory_space<semaphore_mem>>) src(%dma_wait3A_709 : memref<1024x256xf32, #tpu.memory_space<vmem_shared>>) dst(%dma_wait3A_706 : memref<1024x256xf32, #tpu.memory_space<hbm>>)
    %dma_wait3A_710 = arith.constant 0 : i32
    %dma_wait3A_711 = arith.constant 0 : i32
    %dma_wait3A_712 = tpu.memref_slice %arg3[%add3A_158, %dma_wait3A_710, %dma_wait3A_711] : memref<1024x1024x256xf32, #tpu.memory_space<hbm>> -> memref<1x1024x256xf32, #tpu.memory_space<hbm>>
    %dma_wait3A_713 = tpu.memref_squeeze %dma_wait3A_712 : memref<1x1024x256xf32, #tpu.memory_space<hbm>> -> memref<1024x256xf32, #tpu.memory_space<hbm>>
    %dma_wait3A_714 = arith.constant 0 : i32
    %dma_wait3A_715 = tpu.memref_slice %arg4[%select_n3A_49, %sub3A_162, %dma_wait3A_714] : memref<4x2040x256xf32, #tpu.memory_space<vmem_shared>> -> memref<1x1024x256xf32, #tpu.memory_space<vmem_shared>>
    %dma_wait3A_716 = tpu.memref_squeeze %dma_wait3A_715 : memref<1x1024x256xf32, #tpu.memory_space<vmem_shared>> -> memref<1024x256xf32, #tpu.memory_space<vmem_shared>>
    tpu.wait_dma2 semaphore(%arg5 : memref<!tpu.dma_semaphore, #tpu.memory_space<semaphore_mem>>) src(%dma_wait3A_716 : memref<1024x256xf32, #tpu.memory_space<vmem_shared>>) dst(%dma_wait3A_713 : memref<1024x256xf32, #tpu.memory_space<hbm>>)
    %dma_wait3A_717 = arith.constant 0 : i32
    %dma_wait3A_718 = arith.constant 0 : i32
    %dma_wait3A_719 = tpu.memref_slice %arg3[%add3A_177, %dma_wait3A_717, %dma_wait3A_718] : memref<1024x1024x256xf32, #tpu.memory_space<hbm>> -> memref<1x1024x256xf32, #tpu.memory_space<hbm>>
    %dma_wait3A_720 = tpu.memref_squeeze %dma_wait3A_719 : memref<1x1024x256xf32, #tpu.memory_space<hbm>> -> memref<1024x256xf32, #tpu.memory_space<hbm>>
    %dma_wait3A_721 = arith.constant 0 : i32
    %dma_wait3A_722 = tpu.memref_slice %arg4[%select_n3A_49, %sub3A_181, %dma_wait3A_721] : memref<4x2040x256xf32, #tpu.memory_space<vmem_shared>> -> memref<1x1024x256xf32, #tpu.memory_space<vmem_shared>>
    %dma_wait3A_723 = tpu.memref_squeeze %dma_wait3A_722 : memref<1x1024x256xf32, #tpu.memory_space<vmem_shared>> -> memref<1024x256xf32, #tpu.memory_space<vmem_shared>>
    tpu.wait_dma2 semaphore(%arg5 : memref<!tpu.dma_semaphore, #tpu.memory_space<semaphore_mem>>) src(%dma_wait3A_723 : memref<1024x256xf32, #tpu.memory_space<vmem_shared>>) dst(%dma_wait3A_720 : memref<1024x256xf32, #tpu.memory_space<hbm>>)
    %dma_wait3A_724 = arith.constant 0 : i32
    %dma_wait3A_725 = arith.constant 0 : i32
    %dma_wait3A_726 = tpu.memref_slice %arg3[%add3A_196, %dma_wait3A_724, %dma_wait3A_725] : memref<1024x1024x256xf32, #tpu.memory_space<hbm>> -> memref<1x1024x256xf32, #tpu.memory_space<hbm>>
    %dma_wait3A_727 = tpu.memref_squeeze %dma_wait3A_726 : memref<1x1024x256xf32, #tpu.memory_space<hbm>> -> memref<1024x256xf32, #tpu.memory_space<hbm>>
    %dma_wait3A_728 = arith.constant 0 : i32
    %dma_wait3A_729 = tpu.memref_slice %arg4[%select_n3A_49, %sub3A_200, %dma_wait3A_728] : memref<4x2040x256xf32, #tpu.memory_space<vmem_shared>> -> memref<1x1024x256xf32, #tpu.memory_space<vmem_shared>>
    %dma_wait3A_730 = tpu.memref_squeeze %dma_wait3A_729 : memref<1x1024x256xf32, #tpu.memory_space<vmem_shared>> -> memref<1024x256xf32, #tpu.memory_space<vmem_shared>>
    tpu.wait_dma2 semaphore(%arg5 : memref<!tpu.dma_semaphore, #tpu.memory_space<semaphore_mem>>) src(%dma_wait3A_730 : memref<1024x256xf32, #tpu.memory_space<vmem_shared>>) dst(%dma_wait3A_727 : memref<1024x256xf32, #tpu.memory_space<hbm>>)
    %dma_wait3A_731 = arith.constant 0 : i32
    %dma_wait3A_732 = arith.constant 0 : i32
    %dma_wait3A_733 = tpu.memref_slice %arg3[%add3A_215, %dma_wait3A_731, %dma_wait3A_732] : memref<1024x1024x256xf32, #tpu.memory_space<hbm>> -> memref<1x1024x256xf32, #tpu.memory_space<hbm>>
    %dma_wait3A_734 = tpu.memref_squeeze %dma_wait3A_733 : memref<1x1024x256xf32, #tpu.memory_space<hbm>> -> memref<1024x256xf32, #tpu.memory_space<hbm>>
    %dma_wait3A_735 = arith.constant 0 : i32
    %dma_wait3A_736 = tpu.memref_slice %arg4[%select_n3A_49, %sub3A_219, %dma_wait3A_735] : memref<4x2040x256xf32, #tpu.memory_space<vmem_shared>> -> memref<1x1024x256xf32, #tpu.memory_space<vmem_shared>>
    %dma_wait3A_737 = tpu.memref_squeeze %dma_wait3A_736 : memref<1x1024x256xf32, #tpu.memory_space<vmem_shared>> -> memref<1024x256xf32, #tpu.memory_space<vmem_shared>>
    tpu.wait_dma2 semaphore(%arg5 : memref<!tpu.dma_semaphore, #tpu.memory_space<semaphore_mem>>) src(%dma_wait3A_737 : memref<1024x256xf32, #tpu.memory_space<vmem_shared>>) dst(%dma_wait3A_734 : memref<1024x256xf32, #tpu.memory_space<hbm>>)
    %dma_wait3A_738 = arith.constant 0 : i32
    %dma_wait3A_739 = arith.constant 0 : i32
    %dma_wait3A_740 = tpu.memref_slice %arg3[%add3A_234, %dma_wait3A_738, %dma_wait3A_739] : memref<1024x1024x256xf32, #tpu.memory_space<hbm>> -> memref<1x1024x256xf32, #tpu.memory_space<hbm>>
    %dma_wait3A_741 = tpu.memref_squeeze %dma_wait3A_740 : memref<1x1024x256xf32, #tpu.memory_space<hbm>> -> memref<1024x256xf32, #tpu.memory_space<hbm>>
    %dma_wait3A_742 = arith.constant 0 : i32
    %dma_wait3A_743 = tpu.memref_slice %arg4[%select_n3A_49, %sub3A_238, %dma_wait3A_742] : memref<4x2040x256xf32, #tpu.memory_space<vmem_shared>> -> memref<1x1024x256xf32, #tpu.memory_space<vmem_shared>>
    %dma_wait3A_744 = tpu.memref_squeeze %dma_wait3A_743 : memref<1x1024x256xf32, #tpu.memory_space<vmem_shared>> -> memref<1024x256xf32, #tpu.memory_space<vmem_shared>>
    tpu.wait_dma2 semaphore(%arg5 : memref<!tpu.dma_semaphore, #tpu.memory_space<semaphore_mem>>) src(%dma_wait3A_744 : memref<1024x256xf32, #tpu.memory_space<vmem_shared>>) dst(%dma_wait3A_741 : memref<1024x256xf32, #tpu.memory_space<hbm>>)
    %dma_wait3A_745 = arith.constant 0 : i32
    %dma_wait3A_746 = arith.constant 0 : i32
    %dma_wait3A_747 = tpu.memref_slice %arg3[%add3A_253, %dma_wait3A_745, %dma_wait3A_746] : memref<1024x1024x256xf32, #tpu.memory_space<hbm>> -> memref<1x1024x256xf32, #tpu.memory_space<hbm>>
    %dma_wait3A_748 = tpu.memref_squeeze %dma_wait3A_747 : memref<1x1024x256xf32, #tpu.memory_space<hbm>> -> memref<1024x256xf32, #tpu.memory_space<hbm>>
    %dma_wait3A_749 = arith.constant 0 : i32
    %dma_wait3A_750 = tpu.memref_slice %arg4[%select_n3A_49, %sub3A_257, %dma_wait3A_749] : memref<4x2040x256xf32, #tpu.memory_space<vmem_shared>> -> memref<1x1024x256xf32, #tpu.memory_space<vmem_shared>>
    %dma_wait3A_751 = tpu.memref_squeeze %dma_wait3A_750 : memref<1x1024x256xf32, #tpu.memory_space<vmem_shared>> -> memref<1024x256xf32, #tpu.memory_space<vmem_shared>>
    tpu.wait_dma2 semaphore(%arg5 : memref<!tpu.dma_semaphore, #tpu.memory_space<semaphore_mem>>) src(%dma_wait3A_751 : memref<1024x256xf32, #tpu.memory_space<vmem_shared>>) dst(%dma_wait3A_748 : memref<1024x256xf32, #tpu.memory_space<hbm>>)
    %dma_wait3A_752 = arith.constant 0 : i32
    %dma_wait3A_753 = arith.constant 0 : i32
    %dma_wait3A_754 = tpu.memref_slice %arg3[%add3A_272, %dma_wait3A_752, %dma_wait3A_753] : memref<1024x1024x256xf32, #tpu.memory_space<hbm>> -> memref<1x1024x256xf32, #tpu.memory_space<hbm>>
    %dma_wait3A_755 = tpu.memref_squeeze %dma_wait3A_754 : memref<1x1024x256xf32, #tpu.memory_space<hbm>> -> memref<1024x256xf32, #tpu.memory_space<hbm>>
    %dma_wait3A_756 = arith.constant 0 : i32
    %dma_wait3A_757 = tpu.memref_slice %arg4[%select_n3A_49, %sub3A_276, %dma_wait3A_756] : memref<4x2040x256xf32, #tpu.memory_space<vmem_shared>> -> memref<1x1024x256xf32, #tpu.memory_space<vmem_shared>>
    %dma_wait3A_758 = tpu.memref_squeeze %dma_wait3A_757 : memref<1x1024x256xf32, #tpu.memory_space<vmem_shared>> -> memref<1024x256xf32, #tpu.memory_space<vmem_shared>>
    tpu.wait_dma2 semaphore(%arg5 : memref<!tpu.dma_semaphore, #tpu.memory_space<semaphore_mem>>) src(%dma_wait3A_758 : memref<1024x256xf32, #tpu.memory_space<vmem_shared>>) dst(%dma_wait3A_755 : memref<1024x256xf32, #tpu.memory_space<hbm>>)
    %dma_wait3A_759 = arith.constant 0 : i32
    %dma_wait3A_760 = arith.constant 0 : i32
    %dma_wait3A_761 = tpu.memref_slice %arg3[%add3A_291, %dma_wait3A_759, %dma_wait3A_760] : memref<1024x1024x256xf32, #tpu.memory_space<hbm>> -> memref<1x1024x256xf32, #tpu.memory_space<hbm>>
    %dma_wait3A_762 = tpu.memref_squeeze %dma_wait3A_761 : memref<1x1024x256xf32, #tpu.memory_space<hbm>> -> memref<1024x256xf32, #tpu.memory_space<hbm>>
    %dma_wait3A_763 = arith.constant 0 : i32
    %dma_wait3A_764 = tpu.memref_slice %arg4[%select_n3A_49, %sub3A_295, %dma_wait3A_763] : memref<4x2040x256xf32, #tpu.memory_space<vmem_shared>> -> memref<1x1024x256xf32, #tpu.memory_space<vmem_shared>>
    %dma_wait3A_765 = tpu.memref_squeeze %dma_wait3A_764 : memref<1x1024x256xf32, #tpu.memory_space<vmem_shared>> -> memref<1024x256xf32, #tpu.memory_space<vmem_shared>>
    tpu.wait_dma2 semaphore(%arg5 : memref<!tpu.dma_semaphore, #tpu.memory_space<semaphore_mem>>) src(%dma_wait3A_765 : memref<1024x256xf32, #tpu.memory_space<vmem_shared>>) dst(%dma_wait3A_762 : memref<1024x256xf32, #tpu.memory_space<hbm>>)
    %dma_wait3A_766 = arith.constant 0 : i32
    %dma_wait3A_767 = arith.constant 0 : i32
    %dma_wait3A_768 = tpu.memref_slice %arg3[%add3A_310, %dma_wait3A_766, %dma_wait3A_767] : memref<1024x1024x256xf32, #tpu.memory_space<hbm>> -> memref<1x1024x256xf32, #tpu.memory_space<hbm>>
    %dma_wait3A_769 = tpu.memref_squeeze %dma_wait3A_768 : memref<1x1024x256xf32, #tpu.memory_space<hbm>> -> memref<1024x256xf32, #tpu.memory_space<hbm>>
    %dma_wait3A_770 = arith.constant 0 : i32
    %dma_wait3A_771 = tpu.memref_slice %arg4[%select_n3A_49, %sub3A_314, %dma_wait3A_770] : memref<4x2040x256xf32, #tpu.memory_space<vmem_shared>> -> memref<1x1024x256xf32, #tpu.memory_space<vmem_shared>>
    %dma_wait3A_772 = tpu.memref_squeeze %dma_wait3A_771 : memref<1x1024x256xf32, #tpu.memory_space<vmem_shared>> -> memref<1024x256xf32, #tpu.memory_space<vmem_shared>>
    tpu.wait_dma2 semaphore(%arg5 : memref<!tpu.dma_semaphore, #tpu.memory_space<semaphore_mem>>) src(%dma_wait3A_772 : memref<1024x256xf32, #tpu.memory_space<vmem_shared>>) dst(%dma_wait3A_769 : memref<1024x256xf32, #tpu.memory_space<hbm>>)
    %dma_wait3A_773 = arith.constant 0 : i32
    %dma_wait3A_774 = arith.constant 0 : i32
    %dma_wait3A_775 = tpu.memref_slice %arg3[%add3A_329, %dma_wait3A_773, %dma_wait3A_774] : memref<1024x1024x256xf32, #tpu.memory_space<hbm>> -> memref<1x1024x256xf32, #tpu.memory_space<hbm>>
    %dma_wait3A_776 = tpu.memref_squeeze %dma_wait3A_775 : memref<1x1024x256xf32, #tpu.memory_space<hbm>> -> memref<1024x256xf32, #tpu.memory_space<hbm>>
    %dma_wait3A_777 = arith.constant 0 : i32
    %dma_wait3A_778 = tpu.memref_slice %arg4[%select_n3A_49, %sub3A_333, %dma_wait3A_777] : memref<4x2040x256xf32, #tpu.memory_space<vmem_shared>> -> memref<1x1024x256xf32, #tpu.memory_space<vmem_shared>>
    %dma_wait3A_779 = tpu.memref_squeeze %dma_wait3A_778 : memref<1x1024x256xf32, #tpu.memory_space<vmem_shared>> -> memref<1024x256xf32, #tpu.memory_space<vmem_shared>>
    tpu.wait_dma2 semaphore(%arg5 : memref<!tpu.dma_semaphore, #tpu.memory_space<semaphore_mem>>) src(%dma_wait3A_779 : memref<1024x256xf32, #tpu.memory_space<vmem_shared>>) dst(%dma_wait3A_776 : memref<1024x256xf32, #tpu.memory_space<hbm>>)
    %dma_wait3A_780 = arith.constant 0 : i32
    %dma_wait3A_781 = arith.constant 0 : i32
    %dma_wait3A_782 = tpu.memref_slice %arg3[%add3A_348, %dma_wait3A_780, %dma_wait3A_781] : memref<1024x1024x256xf32, #tpu.memory_space<hbm>> -> memref<1x1024x256xf32, #tpu.memory_space<hbm>>
    %dma_wait3A_783 = tpu.memref_squeeze %dma_wait3A_782 : memref<1x1024x256xf32, #tpu.memory_space<hbm>> -> memref<1024x256xf32, #tpu.memory_space<hbm>>
    %dma_wait3A_784 = arith.constant 0 : i32
    %dma_wait3A_785 = tpu.memref_slice %arg4[%select_n3A_49, %sub3A_352, %dma_wait3A_784] : memref<4x2040x256xf32, #tpu.memory_space<vmem_shared>> -> memref<1x1024x256xf32, #tpu.memory_space<vmem_shared>>
    %dma_wait3A_786 = tpu.memref_squeeze %dma_wait3A_785 : memref<1x1024x256xf32, #tpu.memory_space<vmem_shared>> -> memref<1024x256xf32, #tpu.memory_space<vmem_shared>>
    tpu.wait_dma2 semaphore(%arg5 : memref<!tpu.dma_semaphore, #tpu.memory_space<semaphore_mem>>) src(%dma_wait3A_786 : memref<1024x256xf32, #tpu.memory_space<vmem_shared>>) dst(%dma_wait3A_783 : memref<1024x256xf32, #tpu.memory_space<hbm>>)
    %dma_wait3A_787 = arith.constant 0 : i32
    %dma_wait3A_788 = arith.constant 0 : i32
    %dma_wait3A_789 = tpu.memref_slice %arg3[%add3A_367, %dma_wait3A_787, %dma_wait3A_788] : memref<1024x1024x256xf32, #tpu.memory_space<hbm>> -> memref<1x1024x256xf32, #tpu.memory_space<hbm>>
    %dma_wait3A_790 = tpu.memref_squeeze %dma_wait3A_789 : memref<1x1024x256xf32, #tpu.memory_space<hbm>> -> memref<1024x256xf32, #tpu.memory_space<hbm>>
    %dma_wait3A_791 = arith.constant 0 : i32
    %dma_wait3A_792 = tpu.memref_slice %arg4[%select_n3A_49, %sub3A_371, %dma_wait3A_791] : memref<4x2040x256xf32, #tpu.memory_space<vmem_shared>> -> memref<1x1024x256xf32, #tpu.memory_space<vmem_shared>>
    %dma_wait3A_793 = tpu.memref_squeeze %dma_wait3A_792 : memref<1x1024x256xf32, #tpu.memory_space<vmem_shared>> -> memref<1024x256xf32, #tpu.memory_space<vmem_shared>>
    tpu.wait_dma2 semaphore(%arg5 : memref<!tpu.dma_semaphore, #tpu.memory_space<semaphore_mem>>) src(%dma_wait3A_793 : memref<1024x256xf32, #tpu.memory_space<vmem_shared>>) dst(%dma_wait3A_790 : memref<1024x256xf32, #tpu.memory_space<hbm>>)
    %dma_wait3A_794 = arith.constant 0 : i32
    %dma_wait3A_795 = arith.constant 0 : i32
    %dma_wait3A_796 = tpu.memref_slice %arg3[%add3A_386, %dma_wait3A_794, %dma_wait3A_795] : memref<1024x1024x256xf32, #tpu.memory_space<hbm>> -> memref<1x1024x256xf32, #tpu.memory_space<hbm>>
    %dma_wait3A_797 = tpu.memref_squeeze %dma_wait3A_796 : memref<1x1024x256xf32, #tpu.memory_space<hbm>> -> memref<1024x256xf32, #tpu.memory_space<hbm>>
    %dma_wait3A_798 = arith.constant 0 : i32
    %dma_wait3A_799 = tpu.memref_slice %arg4[%select_n3A_49, %sub3A_390, %dma_wait3A_798] : memref<4x2040x256xf32, #tpu.memory_space<vmem_shared>> -> memref<1x1024x256xf32, #tpu.memory_space<vmem_shared>>
    %dma_wait3A_800 = tpu.memref_squeeze %dma_wait3A_799 : memref<1x1024x256xf32, #tpu.memory_space<vmem_shared>> -> memref<1024x256xf32, #tpu.memory_space<vmem_shared>>
    tpu.wait_dma2 semaphore(%arg5 : memref<!tpu.dma_semaphore, #tpu.memory_space<semaphore_mem>>) src(%dma_wait3A_800 : memref<1024x256xf32, #tpu.memory_space<vmem_shared>>) dst(%dma_wait3A_797 : memref<1024x256xf32, #tpu.memory_space<hbm>>)
    %dma_wait3A_801 = arith.constant 0 : i32
    %dma_wait3A_802 = arith.constant 0 : i32
    %dma_wait3A_803 = tpu.memref_slice %arg3[%add3A_405, %dma_wait3A_801, %dma_wait3A_802] : memref<1024x1024x256xf32, #tpu.memory_space<hbm>> -> memref<1x1024x256xf32, #tpu.memory_space<hbm>>
    %dma_wait3A_804 = tpu.memref_squeeze %dma_wait3A_803 : memref<1x1024x256xf32, #tpu.memory_space<hbm>> -> memref<1024x256xf32, #tpu.memory_space<hbm>>
    %dma_wait3A_805 = arith.constant 0 : i32
    %dma_wait3A_806 = tpu.memref_slice %arg4[%select_n3A_49, %sub3A_409, %dma_wait3A_805] : memref<4x2040x256xf32, #tpu.memory_space<vmem_shared>> -> memref<1x1024x256xf32, #tpu.memory_space<vmem_shared>>
    %dma_wait3A_807 = tpu.memref_squeeze %dma_wait3A_806 : memref<1x1024x256xf32, #tpu.memory_space<vmem_shared>> -> memref<1024x256xf32, #tpu.memory_space<vmem_shared>>
    tpu.wait_dma2 semaphore(%arg5 : memref<!tpu.dma_semaphore, #tpu.memory_space<semaphore_mem>>) src(%dma_wait3A_807 : memref<1024x256xf32, #tpu.memory_space<vmem_shared>>) dst(%dma_wait3A_804 : memref<1024x256xf32, #tpu.memory_space<hbm>>)
    %dma_wait3A_808 = arith.constant 0 : i32
    %dma_wait3A_809 = arith.constant 0 : i32
    %dma_wait3A_810 = tpu.memref_slice %arg3[%add3A_424, %dma_wait3A_808, %dma_wait3A_809] : memref<1024x1024x256xf32, #tpu.memory_space<hbm>> -> memref<1x1024x256xf32, #tpu.memory_space<hbm>>
    %dma_wait3A_811 = tpu.memref_squeeze %dma_wait3A_810 : memref<1x1024x256xf32, #tpu.memory_space<hbm>> -> memref<1024x256xf32, #tpu.memory_space<hbm>>
    %dma_wait3A_812 = arith.constant 0 : i32
    %dma_wait3A_813 = tpu.memref_slice %arg4[%select_n3A_49, %sub3A_428, %dma_wait3A_812] : memref<4x2040x256xf32, #tpu.memory_space<vmem_shared>> -> memref<1x1024x256xf32, #tpu.memory_space<vmem_shared>>
    %dma_wait3A_814 = tpu.memref_squeeze %dma_wait3A_813 : memref<1x1024x256xf32, #tpu.memory_space<vmem_shared>> -> memref<1024x256xf32, #tpu.memory_space<vmem_shared>>
    tpu.wait_dma2 semaphore(%arg5 : memref<!tpu.dma_semaphore, #tpu.memory_space<semaphore_mem>>) src(%dma_wait3A_814 : memref<1024x256xf32, #tpu.memory_space<vmem_shared>>) dst(%dma_wait3A_811 : memref<1024x256xf32, #tpu.memory_space<hbm>>)
    %dma_wait3A_815 = arith.constant 0 : i32
    %dma_wait3A_816 = arith.constant 0 : i32
    %dma_wait3A_817 = tpu.memref_slice %arg3[%add3A_443, %dma_wait3A_815, %dma_wait3A_816] : memref<1024x1024x256xf32, #tpu.memory_space<hbm>> -> memref<1x1024x256xf32, #tpu.memory_space<hbm>>
    %dma_wait3A_818 = tpu.memref_squeeze %dma_wait3A_817 : memref<1x1024x256xf32, #tpu.memory_space<hbm>> -> memref<1024x256xf32, #tpu.memory_space<hbm>>
    %dma_wait3A_819 = arith.constant 0 : i32
    %dma_wait3A_820 = tpu.memref_slice %arg4[%select_n3A_49, %sub3A_447, %dma_wait3A_819] : memref<4x2040x256xf32, #tpu.memory_space<vmem_shared>> -> memref<1x1024x256xf32, #tpu.memory_space<vmem_shared>>
    %dma_wait3A_821 = tpu.memref_squeeze %dma_wait3A_820 : memref<1x1024x256xf32, #tpu.memory_space<vmem_shared>> -> memref<1024x256xf32, #tpu.memory_space<vmem_shared>>
    tpu.wait_dma2 semaphore(%arg5 : memref<!tpu.dma_semaphore, #tpu.memory_space<semaphore_mem>>) src(%dma_wait3A_821 : memref<1024x256xf32, #tpu.memory_space<vmem_shared>>) dst(%dma_wait3A_818 : memref<1024x256xf32, #tpu.memory_space<hbm>>)
    %dma_wait3A_822 = arith.constant 0 : i32
    %dma_wait3A_823 = arith.constant 0 : i32
    %dma_wait3A_824 = tpu.memref_slice %arg3[%add3A_462, %dma_wait3A_822, %dma_wait3A_823] : memref<1024x1024x256xf32, #tpu.memory_space<hbm>> -> memref<1x1024x256xf32, #tpu.memory_space<hbm>>
    %dma_wait3A_825 = tpu.memref_squeeze %dma_wait3A_824 : memref<1x1024x256xf32, #tpu.memory_space<hbm>> -> memref<1024x256xf32, #tpu.memory_space<hbm>>
    %dma_wait3A_826 = arith.constant 0 : i32
    %dma_wait3A_827 = tpu.memref_slice %arg4[%select_n3A_49, %sub3A_466, %dma_wait3A_826] : memref<4x2040x256xf32, #tpu.memory_space<vmem_shared>> -> memref<1x1024x256xf32, #tpu.memory_space<vmem_shared>>
    %dma_wait3A_828 = tpu.memref_squeeze %dma_wait3A_827 : memref<1x1024x256xf32, #tpu.memory_space<vmem_shared>> -> memref<1024x256xf32, #tpu.memory_space<vmem_shared>>
    tpu.wait_dma2 semaphore(%arg5 : memref<!tpu.dma_semaphore, #tpu.memory_space<semaphore_mem>>) src(%dma_wait3A_828 : memref<1024x256xf32, #tpu.memory_space<vmem_shared>>) dst(%dma_wait3A_825 : memref<1024x256xf32, #tpu.memory_space<hbm>>)
    %dma_wait3A_829 = arith.constant 0 : i32
    %dma_wait3A_830 = arith.constant 0 : i32
    %dma_wait3A_831 = tpu.memref_slice %arg3[%add3A_481, %dma_wait3A_829, %dma_wait3A_830] : memref<1024x1024x256xf32, #tpu.memory_space<hbm>> -> memref<1x1024x256xf32, #tpu.memory_space<hbm>>
    %dma_wait3A_832 = tpu.memref_squeeze %dma_wait3A_831 : memref<1x1024x256xf32, #tpu.memory_space<hbm>> -> memref<1024x256xf32, #tpu.memory_space<hbm>>
    %dma_wait3A_833 = arith.constant 0 : i32
    %dma_wait3A_834 = tpu.memref_slice %arg4[%select_n3A_49, %sub3A_485, %dma_wait3A_833] : memref<4x2040x256xf32, #tpu.memory_space<vmem_shared>> -> memref<1x1024x256xf32, #tpu.memory_space<vmem_shared>>
    %dma_wait3A_835 = tpu.memref_squeeze %dma_wait3A_834 : memref<1x1024x256xf32, #tpu.memory_space<vmem_shared>> -> memref<1024x256xf32, #tpu.memory_space<vmem_shared>>
    tpu.wait_dma2 semaphore(%arg5 : memref<!tpu.dma_semaphore, #tpu.memory_space<semaphore_mem>>) src(%dma_wait3A_835 : memref<1024x256xf32, #tpu.memory_space<vmem_shared>>) dst(%dma_wait3A_832 : memref<1024x256xf32, #tpu.memory_space<hbm>>)
    %dma_wait3A_836 = arith.constant 0 : i32
    %dma_wait3A_837 = arith.constant 0 : i32
    %dma_wait3A_838 = tpu.memref_slice %arg3[%add3A_500, %dma_wait3A_836, %dma_wait3A_837] : memref<1024x1024x256xf32, #tpu.memory_space<hbm>> -> memref<1x1024x256xf32, #tpu.memory_space<hbm>>
    %dma_wait3A_839 = tpu.memref_squeeze %dma_wait3A_838 : memref<1x1024x256xf32, #tpu.memory_space<hbm>> -> memref<1024x256xf32, #tpu.memory_space<hbm>>
    %dma_wait3A_840 = arith.constant 0 : i32
    %dma_wait3A_841 = tpu.memref_slice %arg4[%select_n3A_49, %sub3A_504, %dma_wait3A_840] : memref<4x2040x256xf32, #tpu.memory_space<vmem_shared>> -> memref<1x1024x256xf32, #tpu.memory_space<vmem_shared>>
    %dma_wait3A_842 = tpu.memref_squeeze %dma_wait3A_841 : memref<1x1024x256xf32, #tpu.memory_space<vmem_shared>> -> memref<1024x256xf32, #tpu.memory_space<vmem_shared>>
    tpu.wait_dma2 semaphore(%arg5 : memref<!tpu.dma_semaphore, #tpu.memory_space<semaphore_mem>>) src(%dma_wait3A_842 : memref<1024x256xf32, #tpu.memory_space<vmem_shared>>) dst(%dma_wait3A_839 : memref<1024x256xf32, #tpu.memory_space<hbm>>)
    %dma_wait3A_843 = arith.constant 0 : i32
    %dma_wait3A_844 = arith.constant 0 : i32
    %dma_wait3A_845 = tpu.memref_slice %arg3[%add3A_519, %dma_wait3A_843, %dma_wait3A_844] : memref<1024x1024x256xf32, #tpu.memory_space<hbm>> -> memref<1x1024x256xf32, #tpu.memory_space<hbm>>
    %dma_wait3A_846 = tpu.memref_squeeze %dma_wait3A_845 : memref<1x1024x256xf32, #tpu.memory_space<hbm>> -> memref<1024x256xf32, #tpu.memory_space<hbm>>
    %dma_wait3A_847 = arith.constant 0 : i32
    %dma_wait3A_848 = tpu.memref_slice %arg4[%select_n3A_49, %sub3A_523, %dma_wait3A_847] : memref<4x2040x256xf32, #tpu.memory_space<vmem_shared>> -> memref<1x1024x256xf32, #tpu.memory_space<vmem_shared>>
    %dma_wait3A_849 = tpu.memref_squeeze %dma_wait3A_848 : memref<1x1024x256xf32, #tpu.memory_space<vmem_shared>> -> memref<1024x256xf32, #tpu.memory_space<vmem_shared>>
    tpu.wait_dma2 semaphore(%arg5 : memref<!tpu.dma_semaphore, #tpu.memory_space<semaphore_mem>>) src(%dma_wait3A_849 : memref<1024x256xf32, #tpu.memory_space<vmem_shared>>) dst(%dma_wait3A_846 : memref<1024x256xf32, #tpu.memory_space<hbm>>)
    %dma_wait3A_850 = arith.constant 0 : i32
    %dma_wait3A_851 = arith.constant 0 : i32
    %dma_wait3A_852 = tpu.memref_slice %arg3[%add3A_538, %dma_wait3A_850, %dma_wait3A_851] : memref<1024x1024x256xf32, #tpu.memory_space<hbm>> -> memref<1x1024x256xf32, #tpu.memory_space<hbm>>
    %dma_wait3A_853 = tpu.memref_squeeze %dma_wait3A_852 : memref<1x1024x256xf32, #tpu.memory_space<hbm>> -> memref<1024x256xf32, #tpu.memory_space<hbm>>
    %dma_wait3A_854 = arith.constant 0 : i32
    %dma_wait3A_855 = tpu.memref_slice %arg4[%select_n3A_49, %sub3A_542, %dma_wait3A_854] : memref<4x2040x256xf32, #tpu.memory_space<vmem_shared>> -> memref<1x1024x256xf32, #tpu.memory_space<vmem_shared>>
    %dma_wait3A_856 = tpu.memref_squeeze %dma_wait3A_855 : memref<1x1024x256xf32, #tpu.memory_space<vmem_shared>> -> memref<1024x256xf32, #tpu.memory_space<vmem_shared>>
    tpu.wait_dma2 semaphore(%arg5 : memref<!tpu.dma_semaphore, #tpu.memory_space<semaphore_mem>>) src(%dma_wait3A_856 : memref<1024x256xf32, #tpu.memory_space<vmem_shared>>) dst(%dma_wait3A_853 : memref<1024x256xf32, #tpu.memory_space<hbm>>)
    %dma_wait3A_857 = arith.constant 0 : i32
    %dma_wait3A_858 = arith.constant 0 : i32
    %dma_wait3A_859 = tpu.memref_slice %arg3[%add3A_557, %dma_wait3A_857, %dma_wait3A_858] : memref<1024x1024x256xf32, #tpu.memory_space<hbm>> -> memref<1x1024x256xf32, #tpu.memory_space<hbm>>
    %dma_wait3A_860 = tpu.memref_squeeze %dma_wait3A_859 : memref<1x1024x256xf32, #tpu.memory_space<hbm>> -> memref<1024x256xf32, #tpu.memory_space<hbm>>
    %dma_wait3A_861 = arith.constant 0 : i32
    %dma_wait3A_862 = tpu.memref_slice %arg4[%select_n3A_49, %sub3A_561, %dma_wait3A_861] : memref<4x2040x256xf32, #tpu.memory_space<vmem_shared>> -> memref<1x1024x256xf32, #tpu.memory_space<vmem_shared>>
    %dma_wait3A_863 = tpu.memref_squeeze %dma_wait3A_862 : memref<1x1024x256xf32, #tpu.memory_space<vmem_shared>> -> memref<1024x256xf32, #tpu.memory_space<vmem_shared>>
    tpu.wait_dma2 semaphore(%arg5 : memref<!tpu.dma_semaphore, #tpu.memory_space<semaphore_mem>>) src(%dma_wait3A_863 : memref<1024x256xf32, #tpu.memory_space<vmem_shared>>) dst(%dma_wait3A_860 : memref<1024x256xf32, #tpu.memory_space<hbm>>)
    %dma_wait3A_864 = arith.constant 0 : i32
    %dma_wait3A_865 = arith.constant 0 : i32
    %dma_wait3A_866 = tpu.memref_slice %arg3[%add3A_576, %dma_wait3A_864, %dma_wait3A_865] : memref<1024x1024x256xf32, #tpu.memory_space<hbm>> -> memref<1x1024x256xf32, #tpu.memory_space<hbm>>
    %dma_wait3A_867 = tpu.memref_squeeze %dma_wait3A_866 : memref<1x1024x256xf32, #tpu.memory_space<hbm>> -> memref<1024x256xf32, #tpu.memory_space<hbm>>
    %dma_wait3A_868 = arith.constant 0 : i32
    %dma_wait3A_869 = tpu.memref_slice %arg4[%select_n3A_49, %sub3A_580, %dma_wait3A_868] : memref<4x2040x256xf32, #tpu.memory_space<vmem_shared>> -> memref<1x1024x256xf32, #tpu.memory_space<vmem_shared>>
    %dma_wait3A_870 = tpu.memref_squeeze %dma_wait3A_869 : memref<1x1024x256xf32, #tpu.memory_space<vmem_shared>> -> memref<1024x256xf32, #tpu.memory_space<vmem_shared>>
    tpu.wait_dma2 semaphore(%arg5 : memref<!tpu.dma_semaphore, #tpu.memory_space<semaphore_mem>>) src(%dma_wait3A_870 : memref<1024x256xf32, #tpu.memory_space<vmem_shared>>) dst(%dma_wait3A_867 : memref<1024x256xf32, #tpu.memory_space<hbm>>)
    %dma_wait3A_871 = arith.constant 0 : i32
    %dma_wait3A_872 = arith.constant 0 : i32
    %dma_wait3A_873 = tpu.memref_slice %arg3[%add3A_595, %dma_wait3A_871, %dma_wait3A_872] : memref<1024x1024x256xf32, #tpu.memory_space<hbm>> -> memref<1x1024x256xf32, #tpu.memory_space<hbm>>
    %dma_wait3A_874 = tpu.memref_squeeze %dma_wait3A_873 : memref<1x1024x256xf32, #tpu.memory_space<hbm>> -> memref<1024x256xf32, #tpu.memory_space<hbm>>
    %dma_wait3A_875 = arith.constant 0 : i32
    %dma_wait3A_876 = tpu.memref_slice %arg4[%select_n3A_49, %sub3A_599, %dma_wait3A_875] : memref<4x2040x256xf32, #tpu.memory_space<vmem_shared>> -> memref<1x1024x256xf32, #tpu.memory_space<vmem_shared>>
    %dma_wait3A_877 = tpu.memref_squeeze %dma_wait3A_876 : memref<1x1024x256xf32, #tpu.memory_space<vmem_shared>> -> memref<1024x256xf32, #tpu.memory_space<vmem_shared>>
    tpu.wait_dma2 semaphore(%arg5 : memref<!tpu.dma_semaphore, #tpu.memory_space<semaphore_mem>>) src(%dma_wait3A_877 : memref<1024x256xf32, #tpu.memory_space<vmem_shared>>) dst(%dma_wait3A_874 : memref<1024x256xf32, #tpu.memory_space<hbm>>)
    %dma_wait3A_878 = arith.constant 0 : i32
    %dma_wait3A_879 = arith.constant 0 : i32
    %dma_wait3A_880 = tpu.memref_slice %arg3[%add3A_614, %dma_wait3A_878, %dma_wait3A_879] : memref<1024x1024x256xf32, #tpu.memory_space<hbm>> -> memref<1x1024x256xf32, #tpu.memory_space<hbm>>
    %dma_wait3A_881 = tpu.memref_squeeze %dma_wait3A_880 : memref<1x1024x256xf32, #tpu.memory_space<hbm>> -> memref<1024x256xf32, #tpu.memory_space<hbm>>
    %dma_wait3A_882 = arith.constant 0 : i32
    %dma_wait3A_883 = tpu.memref_slice %arg4[%select_n3A_49, %sub3A_618, %dma_wait3A_882] : memref<4x2040x256xf32, #tpu.memory_space<vmem_shared>> -> memref<1x1024x256xf32, #tpu.memory_space<vmem_shared>>
    %dma_wait3A_884 = tpu.memref_squeeze %dma_wait3A_883 : memref<1x1024x256xf32, #tpu.memory_space<vmem_shared>> -> memref<1024x256xf32, #tpu.memory_space<vmem_shared>>
    tpu.wait_dma2 semaphore(%arg5 : memref<!tpu.dma_semaphore, #tpu.memory_space<semaphore_mem>>) src(%dma_wait3A_884 : memref<1024x256xf32, #tpu.memory_space<vmem_shared>>) dst(%dma_wait3A_881 : memref<1024x256xf32, #tpu.memory_space<hbm>>)
    %dma_wait3A_885 = arith.constant 0 : i32
    %dma_wait3A_886 = arith.constant 0 : i32
    %dma_wait3A_887 = tpu.memref_slice %arg3[%add3A_633, %dma_wait3A_885, %dma_wait3A_886] : memref<1024x1024x256xf32, #tpu.memory_space<hbm>> -> memref<1x1024x256xf32, #tpu.memory_space<hbm>>
    %dma_wait3A_888 = tpu.memref_squeeze %dma_wait3A_887 : memref<1x1024x256xf32, #tpu.memory_space<hbm>> -> memref<1024x256xf32, #tpu.memory_space<hbm>>
    %dma_wait3A_889 = arith.constant 0 : i32
    %dma_wait3A_890 = tpu.memref_slice %arg4[%select_n3A_49, %sub3A_637, %dma_wait3A_889] : memref<4x2040x256xf32, #tpu.memory_space<vmem_shared>> -> memref<1x1024x256xf32, #tpu.memory_space<vmem_shared>>
    %dma_wait3A_891 = tpu.memref_squeeze %dma_wait3A_890 : memref<1x1024x256xf32, #tpu.memory_space<vmem_shared>> -> memref<1024x256xf32, #tpu.memory_space<vmem_shared>>
    tpu.wait_dma2 semaphore(%arg5 : memref<!tpu.dma_semaphore, #tpu.memory_space<semaphore_mem>>) src(%dma_wait3A_891 : memref<1024x256xf32, #tpu.memory_space<vmem_shared>>) dst(%dma_wait3A_888 : memref<1024x256xf32, #tpu.memory_space<hbm>>)
    %dma_wait3A_892 = arith.constant 0 : i32
    %dma_wait3A_893 = arith.constant 0 : i32
    %dma_wait3A_894 = tpu.memref_slice %arg3[%add3A_652, %dma_wait3A_892, %dma_wait3A_893] : memref<1024x1024x256xf32, #tpu.memory_space<hbm>> -> memref<1x1024x256xf32, #tpu.memory_space<hbm>>
    %dma_wait3A_895 = tpu.memref_squeeze %dma_wait3A_894 : memref<1x1024x256xf32, #tpu.memory_space<hbm>> -> memref<1024x256xf32, #tpu.memory_space<hbm>>
    %dma_wait3A_896 = arith.constant 0 : i32
    %dma_wait3A_897 = tpu.memref_slice %arg4[%select_n3A_49, %sub3A_656, %dma_wait3A_896] : memref<4x2040x256xf32, #tpu.memory_space<vmem_shared>> -> memref<1x1024x256xf32, #tpu.memory_space<vmem_shared>>
    %dma_wait3A_898 = tpu.memref_squeeze %dma_wait3A_897 : memref<1x1024x256xf32, #tpu.memory_space<vmem_shared>> -> memref<1024x256xf32, #tpu.memory_space<vmem_shared>>
    tpu.wait_dma2 semaphore(%arg5 : memref<!tpu.dma_semaphore, #tpu.memory_space<semaphore_mem>>) src(%dma_wait3A_898 : memref<1024x256xf32, #tpu.memory_space<vmem_shared>>) dst(%dma_wait3A_895 : memref<1024x256xf32, #tpu.memory_space<hbm>>)
    %dma_wait3A_899 = arith.constant 0 : i32
    %dma_wait3A_900 = arith.constant 0 : i32
    %dma_wait3A_901 = tpu.memref_slice %arg3[%add3A_671, %dma_wait3A_899, %dma_wait3A_900] : memref<1024x1024x256xf32, #tpu.memory_space<hbm>> -> memref<1x1024x256xf32, #tpu.memory_space<hbm>>
    %dma_wait3A_902 = tpu.memref_squeeze %dma_wait3A_901 : memref<1x1024x256xf32, #tpu.memory_space<hbm>> -> memref<1024x256xf32, #tpu.memory_space<hbm>>
    %dma_wait3A_903 = arith.constant 0 : i32
    %dma_wait3A_904 = tpu.memref_slice %arg4[%select_n3A_49, %sub3A_675, %dma_wait3A_903] : memref<4x2040x256xf32, #tpu.memory_space<vmem_shared>> -> memref<1x1024x256xf32, #tpu.memory_space<vmem_shared>>
    %dma_wait3A_905 = tpu.memref_squeeze %dma_wait3A_904 : memref<1x1024x256xf32, #tpu.memory_space<vmem_shared>> -> memref<1024x256xf32, #tpu.memory_space<vmem_shared>>
    tpu.wait_dma2 semaphore(%arg5 : memref<!tpu.dma_semaphore, #tpu.memory_space<semaphore_mem>>) src(%dma_wait3A_905 : memref<1024x256xf32, #tpu.memory_space<vmem_shared>>) dst(%dma_wait3A_902 : memref<1024x256xf32, #tpu.memory_space<hbm>>)
    return
  }
}

</mosaic_0001>

<sc_bundles>
// kernel: kernel.3.cloned.1.call-start
scs
__scs_entry_jumppad:
0x0: {  	(pc) =	sbr.rel $0x88, $3  }
0x1: {  	(tag) =	ssettag $0x0;
	lr =	simm.s32 $0x1  }
0x2: {  	[smem:$0x3FA0] =	sst lr;
	_ =	strace $0xD0000000  }
0x3: {  	_ = 	snop  }
0x4: {  	_ = 	snop  }
0x5: {  	_ = 	snop  }
0x6: {  	_ = 	snop  }
0x7: {  	_ = 	snop  }
__scs_overlays_trampoline_lowered:
0x8: {  	[smem:$0x3FAF] =	sst s0  }
0x9: {  	[smem:$0x3FB0] =	sst s1  }
0xa: {  	[smem:$0x3FB1] =	sst s2  }
0xb: {  	[smem:$0x3FB2] =	sst s3  }
0xc: {  	[smem:$0x3FB3] =	sst s4  }
0xd: {  	[smem:$0x3FB4] =	sst s5  }
0xe: {  	[smem:$0x3FB5] =	sst s6  }
0xf: {  	[smem:$0x3FB6] =	sst s7  }
0x10: {  	[smem:$0x3FB7] =	sst s8  }
0x11: {  	[smem:$0x3FB8] =	sst s9;
	s0 =	simm.s32 @!p0 $0x0  }
0x12: {  	s1 =	sld [smem:$0x3F9E];
	s0 =	simm.s32 @p0 $0x1  }
0x13: {  	[smem:$0x3FB9] =	sst s0;
	s0 =	simm.s32 @!p1 $0x0  }
0x14: {  	s2 =	sld [smem:$0x3F9D];
	s0 =	simm.s32 @p1 $0x1  }
0x15: {  	[smem:$0x3FBA] =	sst s0;
	s0 =	simm.s32 @!p2 $0x0  }
0x16: {  	s3 =	sld [smem:$0x3FDB];
	s0 =	simm.s32 @p2 $0x1  }
0x17: {  	s4 =	simm.s32 $0x1BF5;
	[smem:$0x3FBC] =	sst s0  }
0x18: {  	s0 =	sld [smem:$0x3F9F];
	_ =	swait.ge [sflag:s4], $0x0  }
0x19: {  	s7 =	sld [smem:$0x3FA0]  }
0x1a: {  	s8 =	sadd.s32 $0xFFFFE003, lr  }
0x1b: {  	s9 =	sadd.s32 $0xFFFFFEF7, lr;
	s5 =	simm.s32 $0xFFFFFFFF;
	p2 =	slt.u32 s8, $0xFFFFF086  }
0x1c: {  	p1 =	slt.u32 s9, $0xF7A;
	s5 =	simm.s32 @!p2 $0x0  }
0x1d: {  	s5 =	simm.s32 @p1 $0x1;
	p0 =	seq.s32 s7, s2  }
0x1e: {  	s7 =	smul.u32 @!p0 $0xF7A, s2;
	p2 =	seq.s32 @!p0 s5, $0x0  }
0x1f: {  	s9 =	smul.u32 $0xF7A, s1;
	s8 =	simm.s32 @!p0 $0x1BF5;
	p2 =	por !p2, p0  }
0x20: {  	[sflag:s8] =	ssyncset.s32 @!p0 $0xFFFFF086;
	s6 =	sadd.s32 @!p0 s3, s7;
	s7 =	simm.s32 @!p0 $0x108  }
0x21: {  	s3 =	sadd.s32 s3, s9;
	s6 =	sadd.s32 @!p0 $0x88, s6;
	s7 =	simm.s32 @p2 $0x1082  }
0x22: {  	[simem:s7], [sflag:s8] =	dma.local @!p0 [hbm:s6], $0xF7A  }
0x23: {  	s9 =	sor.u32 $0xD0000000, s2;
	s6 =	simm.s32 $0x108;
	_ =	swait.ge @!p0 [sflag:s8], $0x0  }
0x24: {  	s3 =	sadd.s32 $0x88, s3;
	s6 =	simm.s32 @!p1 $0x1082;
	[sflag:s4] =	ssyncset.s32 $0xFFFFF086  }
0x25: {  	[simem:s6], [sflag:s4] =	dma.local [hbm:s3], $0xF7A  }
0x26: {  	[smem:$0x3FA0] =	sst s1;
	(tag) =	ssettag s2;
	_ =	strace s9  }
0x27: {  	s1 =	sld [smem:$0x3FB0]  }
0x28: {  	s2 =	sld [smem:$0x3FB1]  }
0x29: {  	s4 =	sld [smem:$0x3FB3]  }
0x2a: {  	p0 =	seq.s32 s5, $0x0;
	s5 =	sld [smem:$0x3FB4]  }
0x2b: {  	s6 =	sld [smem:$0x3FB5]  }
0x2c: {  	s7 =	sld [smem:$0x3FB6]  }
0x2d: {  	s3 =	simm.s32 $0x108;
	s8 =	sld [smem:$0x3FB7]  }
0x2e: {  	s3 =	simm.s32 @!p0 $0x1082;
	s9 =	sld [smem:$0x3FB8]  }
0x2f: {  	lr =	sadd.s32 s0, s3;
	s0 =	sld [smem:$0x3FAF]  }
0x30: {  	s3 =	sld [smem:$0x3FB2]  }
0x31: {  	[smem:$0x3FBB] =	sst s10  }
0x32: {  	s10 =	sld [smem:$0x3FB9];
	_ =	sdelay $0x3  }
0x33: {  	p0 =	seq.s32 s10, $0x1;
	s10 =	sld [smem:$0x3FBB];
	_ =	sdelay $0x3  }
0x34: {  	[smem:$0x3FBB] =	sst s10  }
0x35: {  	s10 =	sld [smem:$0x3FBA];
	_ =	sdelay $0x3  }
0x36: {  	p1 =	seq.s32 s10, $0x1;
	s10 =	sld [smem:$0x3FBB];
	_ =	sdelay $0x3  }
0x37: {  	[smem:$0x3FBB] =	sst s10  }
0x38: {  	s10 =	sld [smem:$0x3FBC]  }
0x39: {  	_ = 	snop;
	(pc) =	sbr.ind lr, $3  }
0x3a: {  	_ = 	snop  }
0x3b: {  	_ = 	snop  }
0x3c: {  	p2 =	seq.s32 s10, $0x1;
	s10 =	sld [smem:$0x3FBB]  }
0x3d: {  	_ =	shalt  }
0x3e: {  	_ =	shalt  }
0x3f: {  	_ =	shalt  }
0x40: {  	_ =	shalt  }
0x41: {  	_ =	shalt  }
0x42: {  	_ =	shalt  }
0x43: {  	_ =	shalt  }
0x44: {  	_ =	shalt  }
0x45: {  	_ =	shalt  }
0x46: {  	_ =	shalt  }
0x47: {  	_ =	shalt  }
0x48: {  	_ =	shalt  }
0x49: {  	_ =	shalt  }
0x4a: {  	_ =	shalt  }
0x4b: {  	_ =	shalt  }
0x4c: {  	_ =	shalt  }
0x4d: {  	_ =	shalt  }
0x4e: {  	_ =	shalt  }
0x4f: {  	_ =	shalt  }
0x50: {  	_ =	shalt  }
0x51: {  	_ =	shalt  }
0x52: {  	_ =	shalt  }
0x53: {  	_ =	shalt  }
0x54: {  	_ =	shalt  }
0x55: {  	_ =	shalt  }
0x56: {  	_ =	shalt  }
0x57: {  	_ =	shalt  }
0x58: {  	_ =	shalt  }
0x59: {  	_ =	shalt  }
0x5a: {  	_ =	shalt  }
0x5b: {  	_ =	shalt  }
0x5c: {  	_ =	shalt  }
0x5d: {  	_ =	shalt  }
0x5e: {  	_ =	shalt  }
0x5f: {  	_ =	shalt  }
0x60: {  	_ =	shalt  }
0x61: {  	_ =	shalt  }
0x62: {  	_ =	shalt  }
0x63: {  	_ =	shalt  }
0x64: {  	_ =	shalt  }
0x65: {  	_ =	shalt  }
0x66: {  	_ =	shalt  }
0x67: {  	_ =	shalt  }
0x68: {  	_ =	shalt  }
0x69: {  	_ =	shalt  }
0x6a: {  	_ =	shalt  }
0x6b: {  	_ =	shalt  }
0x6c: {  	_ =	shalt  }
0x6d: {  	_ =	shalt  }
0x6e: {  	_ =	shalt  }
0x6f: {  	_ =	shalt  }
0x70: {  	_ =	shalt  }
0x71: {  	_ =	shalt  }
0x72: {  	_ =	shalt  }
0x73: {  	_ =	shalt  }
0x74: {  	_ =	shalt  }
0x75: {  	_ =	shalt  }
0x76: {  	_ =	shalt  }
0x77: {  	_ =	shalt  }
0x78: {  	_ =	shalt  }
0x79: {  	_ =	shalt  }
0x7a: {  	_ =	shalt  }
0x7b: {  	_ =	shalt  }
0x7c: {  	_ =	shalt  }
0x7d: {  	_ =	shalt  }
0x7e: {  	_ =	shalt  }
0x7f: {  	_ =	shalt  }
0x80: {  	_ =	shalt  }
0x81: {  	_ =	shalt  }
0x82: {  	_ =	shalt  }
0x83: {  	_ =	shalt  }
0x84: {  	_ =	shalt  }
0x85: {  	_ =	shalt  }
0x86: {  	_ =	shalt  }
0x87: {  	_ =	shalt  }
.Lfunc_end0:
.L_simem_size_0:
called_computation_lowered:
.L_overlay_start_0:
0x88: {  	s2 =	sld [smem:$0x3FD9]  }
0x89: {  	s3 =	sld [smem:$0x3FFE];
	_ =	sdelay $0x1  }
0x8a: {  	s1 =	srdreg.scid  }
0x8b: {  	s0 =	sand.u32 $0x1, s1  }
0x8c: {  	s17 =	sshll.u32 s0, $0xA;
	s2 =	sadd.s32 s3, s2  }
0x8d: {  	s2 =	sadd.s32 s2, s17  }
0x8e: {  	[smem:$0x3FC7] =	sst s2  }
0x8f: {  	_ = 	snop  }
0x90: {  	s2 =	sld [smem:$0x3FD0];
	(tm) =	ssettm $0x1  }
0x91: {  	s18 =	sld [smem:$0x3FFB];
	_ =	sdelay $0x3  }
0x92: {  	_ =	strace s18  }
0x93: {  	s3 =	sld [smem:$0x3FFC];
	_ =	sdelay $0x3  }
0x94: {  	_ =	strace s3  }
0x95: {  	s3 =	sld [smem:$0x3FFD];
	_ =	sdelay $0x3  }
0x96: {  	_ =	strace s3  }
0x97: {  	_ =	strace $0x8FFFFFFF  }
0x98: {  	s19 =	sld [smem:$0x3FDB];
	_ =	sdelay $0x1  }
0x99: {  	s4 =	simm.s32 $_scs_section_size  }
0x9a: {  	s5 =	simm.s32 $_size__tile_overlayer_lowered;
	s6 =	simm.s32 $_tile_overlayer_lowered  }
0x9b: {  	s22 =	simm.s32 $0x1BFF;
	s21 =	sshll.u32 s6, $0x1;
	s3 =	sadd.s32 s4, s19  }
0x9c: {  	s7 =	simm.s32 $0x0;
	s20 =	sshll.u32 s5, $0x1;
	s5 =	sadd.s32 s21, s3  }
0x9d: {  	[timem:s7], [sflag:s22] =	dma.local [hbm:s5], s20  }
0x9e: {  	_ =	swait.ge [sflag:s22], s20  }
0x9f: {  	s4 =	ssub.s32 $0x0, s20;
	[sflag:s22] =	ssyncset.done $0x0  }
0xa0: {  	[sflag:s22] =	ssyncadd.s32 s4;
	_ =	sdelay $0x1  }
0xa1: {  	s23 =	simm.s32 $0x1B8B  }
0xa2: {  	_ =	swait.ge [sflag:s23], $0x1  }
0xa3: {  	[sflag:s23] =	ssyncset.done $0x0  }
0xa4: {  	s25 =	simm.s32 $0x1B8E;
	s24 =	sld [smem:$0x3FFE];
	[sflag:s23] =	ssyncadd.s32 $0xFFFFFFFF  }
0xa5: {  	s26 =	simm.s32 $execute0_lowered;
	[smem:$0x3FD2] =	sst s25  }
0xa6: {  	s5 =	sshll.u32 s26, $0x1;
	_ =	strace $0x80000046;
	[dreg:$0x1] =	wrdreg $0xFFFFFFFF  }
0xa7: {  	s28 =	simm.s32 $_size_execute0_lowered;
	s3 =	sadd.s32 s3, s5;
	[dreg:$0x0] =	wrdreg $0x0  }
0xa8: {  	s5 =	sshll.u32 s28, $0x1;
	[dreg:$0x2] =	wrdreg s3  }
0xa9: {  	[dreg:$0x3] =	wrdreg s5  }
0xaa: {  	[dreg:$0x4] =	wrdreg $0xC0  }
0xab: {  	_ =	task [dreg:s7], $0x5FFFF  }
0xac: {  	[dreg:$0x1] =	wrdreg $0xFFFFFFFF  }
0xad: {  	[dreg:$0x0] =	wrdreg $0x60  }
0xae: {  	[dreg:$0x2] =	wrdreg s24  }
0xaf: {  	[dreg:$0x3] =	wrdreg s2  }
0xb0: {  	[dreg:$0x4] =	wrdreg $0x0  }
0xb1: {  	[dreg:$0x5] =	wrdreg $0x9  }
0xb2: {  	_ =	task.clear_ibuf [dreg:s7], $0x6FFFF;
	_ =	strace $0x90000046  }
0xb3: {  	s29 =	simm.s32 $0x9;
	_ =	strace $0x80000048  }
0xb4: {  	_ =	swait.ge [sflag:s29], $0x1  }
0xb5: {  	[sflag:s29] =	ssyncadd.s32 $0xFFFFFFFF  }
0xb6: {  	_ =	strace $0x90000048  }
0xb7: {  	_ =	sfence  }
0xb8: {  	s30 =	sld [smem:$0x0];
	_ =	sdelay $0x2  }
0xb9: {  	s31 =	sshll.u32 s1, $0xD;
	s1 =	sshrl.u32 s1, $0x2  }
0xba: {  	s3 =	sand.u32 $0x4000, s31;
	s1 =	sadd.s32 s1, s30  }
0xbb: {  	s0 =	sor.u32 s3, s0;
	s1 =	sshll.u32 s1, $0x11  }
0xbc: {  	s0 =	sor.u32 s1, s0  }
0xbd: {  	s0 =	sadd.s32 $0x8F2B, s0  }
0xbe: {  	[sflag:s0] =	ssyncadd.remote.s32 $0x1  }
0xbf: {  	_ =	sfence.sel $0xFFFF  }
0xc0: {  	[dreg:$0x0] =	wrdreg $0xFFFFFFFF;
	(pc) =	sbr.abs _section_cstart, $3  }
0xc1: {  	[dreg:$0x1] =	wrdreg $0xFFFFFFFF  }
0xc2: {  	_ =	task.clear_ibuf [dreg:s7], $0x2FFFF;
	_ =	strace $0x9FFFFFFF  }
0xc3: {  	(tm) =	ssettm $0x7FFFFFFF  }
tec
execute0_lowered:
.L_overlay_start_1:
0x0: {  	(tag) =	ssettag $0x1  }
0x1: {  	s1 =	srdreg.scid  }
0x2: {  	s0 =	stileid.u32;
	s31 =	sand.u32 $0x1, s1  }
0x3: {  	s2 =	sshrl.u32 s0, $0x2;
	s5 =	sand.u32 $0x3, s0;
	s3 =	sshll.u32 s31, $0x2  }
0x4: {  	s4 =	sshll.u32 s5, $0x9;
	s8 =	sor.u32 s2, s3  }
0x5: {  	s4 =	smin.u32 s4, $0x5F8;
	s1 =	smul.u32 $0x7F800, s8  }
0x6: {  	s7 =	rddreg [dreg:$0x0];
	s10 =	simm.s32 $0x0;
	s6 =	sshll.u32 s4, $0x8  }
0x7: {  	[smem:$0x7FF] =	sst s10;
	s9 =	sadd.s32 s1, s6  }
0x8: {  	s8 =	rddreg [dreg:$0x1];
	s9 =	sshrl.u32 s9, $0x3  }
0x9: {  	s10 =	sshll.u32 s2, $0x17;
	s4 =	rddreg [dreg:$0x2];
	s7 =	sadd.s32 s9, s7  }
0xa: {  	_ =	strace $0x80000047;
	s9 =	sor.u32 s5, s3;
	s7 =	sadd.s32 $0xE00, s7  }
0xb: {  	s3 =	sshll.u32 s0, $0x6;
	[dreg:$0x4] =	wrdreg s7;
	s7 =	sshll.u32 s9, $0xF  }
0xc: {  	s11 =	sadd.s32 s8, s10;
	s12 =	sor.u32 $0x1C02, s3;
	s9 =	sor.u32 s7, s10  }
0xd: {  	[dreg:$0x5] =	wrdreg s12;
	s13 =	sadd.s32 s7, s11;
	s7 =	sadd.s32 s9, s8  }
0xe: {  	[dreg:$0x6] =	wrdreg s13;
	s8 =	sadd.s32 $0x40000, s7  }
0xf: {  	s14 =	sadd.s32 $0x80000, s7;
	[dreg:$0x7] =	wrdreg s8  }
0x10: {  	s15 =	sadd.s32 $0xC0000, s7;
	[dreg:$0x8] =	wrdreg s14  }
0x11: {  	s16 =	sadd.s32 $0x100000, s7;
	[dreg:$0x9] =	wrdreg s15  }
0x12: {  	s17 =	sadd.s32 $0x140000, s7;
	[dreg:$0xa] =	wrdreg s16  }
0x13: {  	s18 =	sadd.s32 $0x180000, s7;
	[dreg:$0xb] =	wrdreg s17  }
0x14: {  	s19 =	sadd.s32 $0x1C0000, s7;
	[dreg:$0xc] =	wrdreg s18  }
0x15: {  	s20 =	sadd.s32 $0x200000, s7;
	[dreg:$0xd] =	wrdreg s19  }
0x16: {  	s21 =	sadd.s32 $0x240000, s7;
	[dreg:$0xe] =	wrdreg s20  }
0x17: {  	s22 =	sadd.s32 $0x280000, s7;
	[dreg:$0xf] =	wrdreg s21  }
0x18: {  	s23 =	sadd.s32 $0x2C0000, s7;
	[dreg:$0x10] =	wrdreg s22  }
0x19: {  	s24 =	sadd.s32 $0x300000, s7;
	[dreg:$0x11] =	wrdreg s23  }
0x1a: {  	s25 =	sadd.s32 $0x340000, s7;
	[dreg:$0x12] =	wrdreg s24  }
0x1b: {  	s26 =	sadd.s32 $0x380000, s7;
	[dreg:$0x13] =	wrdreg s25  }
0x1c: {  	s0 =	sadd.s32 $0x3C0000, s7;
	[dreg:$0x14] =	wrdreg s26  }
0x1d: {  	s1 =	sadd.s32 $0x400000, s7;
	[dreg:$0x15] =	wrdreg s0  }
0x1e: {  	s9 =	sadd.s32 $0x440000, s7;
	[dreg:$0x16] =	wrdreg s1  }
0x1f: {  	s10 =	sadd.s32 $0x480000, s7;
	[dreg:$0x17] =	wrdreg s9  }
0x20: {  	s11 =	sadd.s32 $0x4C0000, s7;
	[dreg:$0x18] =	wrdreg s10  }
0x21: {  	s12 =	sadd.s32 $0x500000, s7;
	[dreg:$0x19] =	wrdreg s11  }
0x22: {  	s13 =	sadd.s32 $0x540000, s7;
	[dreg:$0x1a] =	wrdreg s12  }
0x23: {  	[dreg:$0x1b] =	wrdreg s13  }
0x24: {  	s14 =	sadd.s32 $0x580000, s7;
	s12 =	rddreg [dreg:$0x4]  }
0x25: {  	s16 =	sadd.s32 $0x5C0000, s7;
	[dreg:$0x1c] =	wrdreg s14  }
0x26: {  	s17 =	sadd.s32 $0x600000, s7;
	[dreg:$0x1d] =	wrdreg s16  }
0x27: {  	s18 =	sadd.s32 $0x640000, s7;
	[dreg:$0x1e] =	wrdreg s17  }
0x28: {  	s5 =	smul.u32 $0x7F800, s5;
	s19 =	sadd.s32 $0x680000, s7;
	[dreg:$0x1f] =	wrdreg s18  }
0x29: {  	s15 =	smul.u32 $0x1FE000, s2;
	s20 =	sadd.s32 $0x6C0000, s7;
	[smem:$0x7F8] =	sst s19  }
0x2a: {  	s21 =	sadd.s32 $0x700000, s7;
	s2 =	sshll.u32 s2, $0x10;
	[smem:$0x7F9] =	sst s20  }
0x2b: {  	s22 =	sadd.s32 $0x740000, s7;
	s23 =	sadd.s32 $0x780000, s7;
	[smem:$0x7FA] =	sst s21  }
0x2c: {  	s24 =	sadd.s32 $0x7C0000, s7;
	s2 =	ssub.s32 s5, s2;
	[smem:$0x7FB] =	sst s22  }
0x2d: {  	[smem:$0x7FC] =	sst s23;
	s9 =	sshrl.u32 s15, $0x2;
	s28 =	sadd.s32 s2, s4  }
0x2e: {  	[smem:$0x7FD] =	sst s24;
	s9 =	sadd.s32 s9, s4;
	s4 =	sadd.s32 $0x3F800, s28  }
0x2f: {  	s16 =	rddreg [dreg:$0x5];
	s1 =	sadd.s32 $0x3E800, s28;
	s0 =	sshrl.u32 s4, $0x3  }
0x30: {  	s7 =	sadd.s32 $0x3E000, s28;
	s8 =	sshrl.u32 s1, $0x3;
	[smem:$0x7F0] =	sst s0  }
0x31: {  	s13 =	sadd.s32 $0x3D000, s28;
	s10 =	sshrl.u32 s7, $0x3;
	[smem:$0x7F2] =	sst s8  }
0x32: {  	s6 =	sadd.s32 s6, s9;
	s2 =	sshrl.u32 s13, $0x3;
	[smem:$0x7F3] =	sst s10  }
0x33: {  	s26 =	sadd.s32 $0x3F000, s28;
	s25 =	sshrl.u32 s6, $0x3;
	[smem:$0x7F5] =	sst s2  }
0x34: {  	s6 =	sshrl.u32 s26, $0x3;
	[smem:$0x7EF] =	sst s25  }
0x35: {  	s9 =	sadd.s32 $0x3D800, s28;
	[smem:$0x7F1] =	sst s6  }
0x36: {  	s15 =	sadd.s32 $0x3C800, s28;
	s11 =	sshrl.u32 s9, $0x3;
	s14 =	sld [smem:$0x7EF]  }
0x37: {  	[smem:$0x7F4] =	sst s11;
	s6 =	sshrl.u32 s15, $0x3  }
0x38: {  	s2 =	simm.s32 $0x2;
	[smem:$0x7F6] =	sst s6  }
0x39: {  	[spmem:s14], [sflag:s16] =	dma.local [hbm:s12], $0x4000  }
0x3a: {  	_ =	swait.ge [sflag:s2], $0x4000  }
0x3b: {  	[sflag:s2] =	ssyncset.done $0x0  }
0x3c: {  	[sflag:s2] =	ssyncadd.s32 $0xFFFFC000  }
0x3d: {  	[bflag:$0x0] =	sbarrier.arrive $0xFFFF  }
0x3e: {  	s18 =	sld [smem:$0x7F0];
	_ =	sdelay $0x1  }
0x3f: {  	s3 =	sor.u32 $0x1C01, s3;
	s17 =	rddreg [dreg:$0x6]  }
0x40: {  	[hbm:s17], [sflag:s3] =	dma.local [spmem:s18], $0x8000  }
0x41: {  	s5 =	sld [smem:$0x7F1];
	_ =	sdelay $0x1  }
0x42: {  	s4 =	rddreg [dreg:$0x7]  }
0x43: {  	[hbm:s4], [sflag:s3] =	dma.local [spmem:s5], $0x8000  }
0x44: {  	s5 =	sld [smem:$0x7F2];
	_ =	sdelay $0x1  }
0x45: {  	s4 =	rddreg [dreg:$0x8]  }
0x46: {  	[hbm:s4], [sflag:s3] =	dma.local [spmem:s5], $0x8000  }
0x47: {  	s5 =	sld [smem:$0x7F3];
	_ =	sdelay $0x1  }
0x48: {  	s4 =	rddreg [dreg:$0x9]  }
0x49: {  	[hbm:s4], [sflag:s3] =	dma.local [spmem:s5], $0x8000  }
0x4a: {  	s5 =	sld [smem:$0x7F4];
	_ =	sdelay $0x1  }
0x4b: {  	s4 =	rddreg [dreg:$0xa]  }
0x4c: {  	[hbm:s4], [sflag:s3] =	dma.local [spmem:s5], $0x8000  }
0x4d: {  	s5 =	sld [smem:$0x7F5];
	_ =	sdelay $0x1  }
0x4e: {  	s4 =	rddreg [dreg:$0xb]  }
0x4f: {  	[hbm:s4], [sflag:s3] =	dma.local [spmem:s5], $0x8000  }
0x50: {  	s5 =	sld [smem:$0x7F6]  }
0x51: {  	s19 =	sadd.s32 $0x3C000, s28  }
0x52: {  	s20 =	sshrl.u32 s19, $0x3;
	s4 =	rddreg [dreg:$0xc]  }
0x53: {  	[hbm:s4], [sflag:s3] =	dma.local [spmem:s5], $0x8000  }
0x54: {  	[smem:$0x7F7] =	sst s20  }
0x55: {  	s22 =	sadd.s32 $0x3B800, s28;
	s5 =	rddreg [dreg:$0xd]  }
0x56: {  	[hbm:s5], [sflag:s3] =	dma.local [spmem:s20], $0x8000  }
0x57: {  	s24 =	sadd.s32 $0x3B000, s28;
	s5 =	sshrl.u32 s22, $0x3;
	s21 =	rddreg [dreg:$0xe]  }
0x58: {  	[hbm:s21], [sflag:s3] =	dma.local [spmem:s5], $0x8000  }
0x59: {  	s26 =	sadd.s32 $0x3A800, s28;
	s6 =	sshrl.u32 s24, $0x3;
	s23 =	rddreg [dreg:$0xf]  }
0x5a: {  	[hbm:s23], [sflag:s3] =	dma.local [spmem:s6], $0x8000  }
0x5b: {  	s1 =	sadd.s32 $0x3A000, s28;
	s7 =	sshrl.u32 s26, $0x3;
	s25 =	rddreg [dreg:$0x10]  }
0x5c: {  	[hbm:s25], [sflag:s3] =	dma.local [spmem:s7], $0x8000  }
0x5d: {  	s8 =	sshrl.u32 s1, $0x3;
	s11 =	sadd.s32 $0x39800, s28;
	s0 =	rddreg [dreg:$0x11]  }
0x5e: {  	[hbm:s0], [sflag:s3] =	dma.local [spmem:s8], $0x8000  }
0x5f: {  	s13 =	sadd.s32 $0x39000, s28;
	s9 =	sshrl.u32 s11, $0x3;
	s4 =	rddreg [dreg:$0x12]  }
0x60: {  	[hbm:s4], [sflag:s3] =	dma.local [spmem:s9], $0x8000  }
0x61: {  	s10 =	sshrl.u32 s13, $0x3;
	s14 =	sadd.s32 $0x38800, s28;
	s12 =	rddreg [dreg:$0x13]  }
0x62: {  	[hbm:s12], [sflag:s3] =	dma.local [spmem:s10], $0x8000  }
0x63: {  	s15 =	sadd.s32 $0x38000, s28;
	s11 =	sshrl.u32 s14, $0x3;
	s12 =	rddreg [dreg:$0x14]  }
0x64: {  	[hbm:s12], [sflag:s3] =	dma.local [spmem:s11], $0x8000  }
0x65: {  	s16 =	sadd.s32 $0x37800, s28;
	s12 =	sshrl.u32 s15, $0x3;
	s13 =	rddreg [dreg:$0x15]  }
0x66: {  	[hbm:s13], [sflag:s3] =	dma.local [spmem:s12], $0x8000  }
0x67: {  	s17 =	sadd.s32 $0x37000, s28;
	s13 =	sshrl.u32 s16, $0x3;
	s14 =	rddreg [dreg:$0x16]  }
0x68: {  	[hbm:s14], [sflag:s3] =	dma.local [spmem:s13], $0x8000  }
0x69: {  	s18 =	sadd.s32 $0x36800, s28;
	s14 =	sshrl.u32 s17, $0x3;
	s15 =	rddreg [dreg:$0x17]  }
0x6a: {  	[hbm:s15], [sflag:s3] =	dma.local [spmem:s14], $0x8000  }
0x6b: {  	s19 =	sadd.s32 $0x36000, s28;
	s15 =	sshrl.u32 s18, $0x3;
	s16 =	rddreg [dreg:$0x18]  }
0x6c: {  	[hbm:s16], [sflag:s3] =	dma.local [spmem:s15], $0x8000  }
0x6d: {  	s20 =	sadd.s32 $0x35800, s28;
	s16 =	sshrl.u32 s19, $0x3;
	s17 =	rddreg [dreg:$0x19]  }
0x6e: {  	[hbm:s17], [sflag:s3] =	dma.local [spmem:s16], $0x8000  }
0x6f: {  	s21 =	sadd.s32 $0x35000, s28;
	s17 =	sshrl.u32 s20, $0x3;
	s18 =	rddreg [dreg:$0x1a]  }
0x70: {  	[hbm:s18], [sflag:s3] =	dma.local [spmem:s17], $0x8000  }
0x71: {  	s22 =	sadd.s32 $0x34800, s28;
	s18 =	sshrl.u32 s21, $0x3;
	s19 =	rddreg [dreg:$0x1b]  }
0x72: {  	[hbm:s19], [sflag:s3] =	dma.local [spmem:s18], $0x8000  }
0x73: {  	s23 =	sadd.s32 $0x34000, s28;
	s19 =	sshrl.u32 s22, $0x3;
	s20 =	rddreg [dreg:$0x1c]  }
0x74: {  	[hbm:s20], [sflag:s3] =	dma.local [spmem:s19], $0x8000  }
0x75: {  	s24 =	sadd.s32 $0x33800, s28;
	s20 =	sshrl.u32 s23, $0x3;
	s21 =	rddreg [dreg:$0x1d]  }
0x76: {  	[hbm:s21], [sflag:s3] =	dma.local [spmem:s20], $0x8000  }
0x77: {  	s25 =	sadd.s32 $0x33000, s28;
	s21 =	sshrl.u32 s24, $0x3;
	s22 =	rddreg [dreg:$0x1e]  }
0x78: {  	[hbm:s22], [sflag:s3] =	dma.local [spmem:s21], $0x8000  }
0x79: {  	s22 =	sshrl.u32 s25, $0x3;
	s23 =	rddreg [dreg:$0x1f]  }
0x7a: {  	[hbm:s23], [sflag:s3] =	dma.local [spmem:s22], $0x8000  }
0x7b: {  	s24 =	sld [smem:$0x7F8]  }
0x7c: {  	s26 =	sadd.s32 $0x32800, s28  }
0x7d: {  	s23 =	sshrl.u32 s26, $0x3  }
0x7e: {  	[hbm:s24], [sflag:s3] =	dma.local [spmem:s23], $0x8000  }
0x7f: {  	s25 =	sld [smem:$0x7F9]  }
0x80: {  	s0 =	sadd.s32 $0x32000, s28  }
0x81: {  	s24 =	sshrl.u32 s0, $0x3  }
0x82: {  	[hbm:s25], [sflag:s3] =	dma.local [spmem:s24], $0x8000  }
0x83: {  	s26 =	sld [smem:$0x7FA]  }
0x84: {  	s1 =	sadd.s32 $0x31800, s28  }
0x85: {  	s25 =	sshrl.u32 s1, $0x3  }
0x86: {  	[hbm:s26], [sflag:s3] =	dma.local [spmem:s25], $0x8000  }
0x87: {  	s29 =	sld [smem:$0x7FB]  }
0x88: {  	s4 =	sadd.s32 $0x31000, s28  }
0x89: {  	s26 =	sshrl.u32 s4, $0x3  }
0x8a: {  	[hbm:s29], [sflag:s3] =	dma.local [spmem:s26], $0x8000  }
0x8b: {  	s30 =	sld [smem:$0x7FC]  }
0x8c: {  	s29 =	sadd.s32 $0x30800, s28  }
0x8d: {  	s29 =	sshrl.u32 s29, $0x3  }
0x8e: {  	[hbm:s30], [sflag:s3] =	dma.local [spmem:s29], $0x8000  }
0x8f: {  	s0 =	sld [smem:$0x7FD]  }
0x90: {  	s28 =	sadd.s32 $0x30000, s28  }
0x91: {  	s30 =	sshrl.u32 s28, $0x3;
	s28 =	simm.s32 $0x1  }
0x92: {  	[hbm:s0], [sflag:s3] =	dma.local [spmem:s30], $0x8000  }
0x93: {  	_ =	swait.ge [sflag:s28], $0x8000  }
0x94: {  	[sflag:s28] =	ssyncset.done $0x0  }
0x95: {  	[sflag:s28] =	ssyncadd.s32 $0xFFFF8000  }
0x96: {  	_ =	swait.ge [sflag:s28], $0x8000  }
0x97: {  	[sflag:s28] =	ssyncset.done $0x0  }
0x98: {  	[sflag:s28] =	ssyncadd.s32 $0xFFFF8000  }
0x99: {  	_ =	swait.ge [sflag:s28], $0x8000  }
0x9a: {  	[sflag:s28] =	ssyncset.done $0x0  }
0x9b: {  	[sflag:s28] =	ssyncadd.s32 $0xFFFF8000  }
0x9c: {  	_ =	swait.ge [sflag:s28], $0x8000  }
0x9d: {  	[sflag:s28] =	ssyncset.done $0x0  }
0x9e: {  	[sflag:s28] =	ssyncadd.s32 $0xFFFF8000  }
0x9f: {  	_ =	swait.ge [sflag:s28], $0x8000  }
0xa0: {  	[sflag:s28] =	ssyncset.done $0x0  }
0xa1: {  	[sflag:s28] =	ssyncadd.s32 $0xFFFF8000  }
0xa2: {  	_ =	swait.ge [sflag:s28], $0x8000  }
0xa3: {  	[sflag:s28] =	ssyncset.done $0x0  }
0xa4: {  	[sflag:s28] =	ssyncadd.s32 $0xFFFF8000  }
0xa5: {  	_ =	swait.ge [sflag:s28], $0x8000  }
0xa6: {  	[sflag:s28] =	ssyncset.done $0x0  }
0xa7: {  	[sflag:s28] =	ssyncadd.s32 $0xFFFF8000  }
0xa8: {  	_ =	swait.ge [sflag:s28], $0x8000  }
0xa9: {  	[sflag:s28] =	ssyncset.done $0x0  }
0xaa: {  	[sflag:s28] =	ssyncadd.s32 $0xFFFF8000  }
0xab: {  	_ =	swait.ge [sflag:s28], $0x8000  }
0xac: {  	[sflag:s28] =	ssyncset.done $0x0  }
0xad: {  	[sflag:s28] =	ssyncadd.s32 $0xFFFF8000  }
0xae: {  	_ =	swait.ge [sflag:s28], $0x8000  }
0xaf: {  	[sflag:s28] =	ssyncset.done $0x0  }
0xb0: {  	[sflag:s28] =	ssyncadd.s32 $0xFFFF8000  }
0xb1: {  	_ =	swait.ge [sflag:s28], $0x8000  }
0xb2: {  	[sflag:s28] =	ssyncset.done $0x0  }
0xb3: {  	[sflag:s28] =	ssyncadd.s32 $0xFFFF8000  }
0xb4: {  	_ =	swait.ge [sflag:s28], $0x8000  }
0xb5: {  	[sflag:s28] =	ssyncset.done $0x0  }
0xb6: {  	[sflag:s28] =	ssyncadd.s32 $0xFFFF8000  }
0xb7: {  	_ =	swait.ge [sflag:s28], $0x8000  }
0xb8: {  	[sflag:s28] =	ssyncset.done $0x0  }
0xb9: {  	[sflag:s28] =	ssyncadd.s32 $0xFFFF8000  }
0xba: {  	_ =	swait.ge [sflag:s28], $0x8000  }
0xbb: {  	[sflag:s28] =	ssyncset.done $0x0  }
0xbc: {  	[sflag:s28] =	ssyncadd.s32 $0xFFFF8000  }
0xbd: {  	_ =	swait.ge [sflag:s28], $0x8000  }
0xbe: {  	[sflag:s28] =	ssyncset.done $0x0  }
0xbf: {  	[sflag:s28] =	ssyncadd.s32 $0xFFFF8000  }
0xc0: {  	_ =	swait.ge [sflag:s28], $0x8000  }
0xc1: {  	[sflag:s28] =	ssyncset.done $0x0  }
0xc2: {  	[sflag:s28] =	ssyncadd.s32 $0xFFFF8000  }
0xc3: {  	_ =	swait.ge [sflag:s28], $0x8000  }
0xc4: {  	[sflag:s28] =	ssyncset.done $0x0  }
0xc5: {  	[sflag:s28] =	ssyncadd.s32 $0xFFFF8000  }
0xc6: {  	_ =	swait.ge [sflag:s28], $0x8000  }
0xc7: {  	[sflag:s28] =	ssyncset.done $0x0  }
0xc8: {  	[sflag:s28] =	ssyncadd.s32 $0xFFFF8000  }
0xc9: {  	_ =	swait.ge [sflag:s28], $0x8000  }
0xca: {  	[sflag:s28] =	ssyncset.done $0x0  }
0xcb: {  	[sflag:s28] =	ssyncadd.s32 $0xFFFF8000  }
0xcc: {  	_ =	swait.ge [sflag:s28], $0x8000  }
0xcd: {  	[sflag:s28] =	ssyncset.done $0x0  }
0xce: {  	[sflag:s28] =	ssyncadd.s32 $0xFFFF8000  }
0xcf: {  	_ =	swait.ge [sflag:s28], $0x8000  }
0xd0: {  	[sflag:s28] =	ssyncset.done $0x0  }
0xd1: {  	[sflag:s28] =	ssyncadd.s32 $0xFFFF8000  }
0xd2: {  	_ =	swait.ge [sflag:s28], $0x8000  }
0xd3: {  	[sflag:s28] =	ssyncset.done $0x0  }
0xd4: {  	[sflag:s28] =	ssyncadd.s32 $0xFFFF8000  }
0xd5: {  	_ =	swait.ge [sflag:s28], $0x8000  }
0xd6: {  	[sflag:s28] =	ssyncset.done $0x0  }
0xd7: {  	[sflag:s28] =	ssyncadd.s32 $0xFFFF8000  }
0xd8: {  	_ =	swait.ge [sflag:s28], $0x8000  }
0xd9: {  	[sflag:s28] =	ssyncset.done $0x0  }
0xda: {  	[sflag:s28] =	ssyncadd.s32 $0xFFFF8000  }
0xdb: {  	_ =	swait.ge [sflag:s28], $0x8000  }
0xdc: {  	[sflag:s28] =	ssyncset.done $0x0  }
0xdd: {  	[sflag:s28] =	ssyncadd.s32 $0xFFFF8000  }
0xde: {  	_ =	swait.ge [sflag:s28], $0x8000  }
0xdf: {  	[sflag:s28] =	ssyncset.done $0x0  }
0xe0: {  	[sflag:s28] =	ssyncadd.s32 $0xFFFF8000  }
0xe1: {  	s4 =	ssub.s32 $0x2, s31;
	_ =	swait.ge [sflag:s28], $0x8000  }
0xe2: {  	s31 =	sshrl.u32 s4, $0x1;
	[sflag:s28] =	ssyncset.done $0x0  }
0xe3: {  	s1 =	ssub.s32 s4, s31;
	[sflag:s28] =	ssyncadd.s32 $0xFFFF8000  }
0xe4: {  	s1 =	smax.u32 s1, $0x1;
	_ =	swait.ge [sflag:s28], $0x8000  }
0xe5: {  	p0 =	sne.s32 s1, $0x1;
	[sflag:s28] =	ssyncset.done $0x0  }
.Ltmp0:
0xe6: {  	[sflag:s28] =	ssyncadd.s32 $0xFFFF8000;
	(pc) =	sbr.rel @!p0 .LBB2_2-.Ltmp0, $4  }
0xe7: {  	_ =	swait.ge [sflag:s28], $0x8000  }
0xe8: {  	[sflag:s28] =	ssyncset.done $0x0  }
0xe9: {  	[sflag:s28] =	ssyncadd.s32 $0xFFFF8000  }
0xea: {  	s31 =	sadd.s32 $0xFFFFFFFF, s1;
	_ =	swait.ge [sflag:s28], $0x8000  }
.LBB2_1:
0xeb: {  	[sflag:s28] =	ssyncset.done $0x0  }
0xec: {  	[sflag:s28] =	ssyncadd.s32 $0xFFFF8000  }
0xed: {  	_ =	swait.ge [sflag:s28], $0x8000  }
0xee: {  	[sflag:s28] =	ssyncset.done $0x0  }
0xef: {  	[sflag:s28] =	ssyncadd.s32 $0xFFFF8000  }
0xf0: {  	_ =	swait.ge [sflag:s28], $0x8000  }
0xf1: {  	s0 =	sld [smem:$0x7EF]  }
0xf2: {  	s1 =	rddreg [dreg:$0x4];
	[sflag:s28] =	ssyncset.done $0x0  }
0xf3: {  	s4 =	rddreg [dreg:$0x5];
	[sflag:s28] =	ssyncadd.s32 $0xFFFF8000  }
0xf4: {  	[spmem:s0], [sflag:s4] =	dma.local [hbm:s1], $0x4000  }
0xf5: {  	_ =	swait.ge [sflag:s2], $0x4000  }
0xf6: {  	[sflag:s2] =	ssyncset.done $0x0  }
0xf7: {  	[sflag:s2] =	ssyncadd.s32 $0xFFFFC000  }
0xf8: {  	[bflag:$0x0] =	sbarrier.arrive $0xFFFF  }
0xf9: {  	s4 =	sld [smem:$0x7F0];
	_ =	sdelay $0x1  }
0xfa: {  	s1 =	rddreg [dreg:$0x6]  }
0xfb: {  	[hbm:s1], [sflag:s3] =	dma.local [spmem:s4], $0x8000  }
0xfc: {  	s1 =	sld [smem:$0x7F1];
	_ =	sdelay $0x1  }
0xfd: {  	s0 =	rddreg [dreg:$0x7]  }
0xfe: {  	[hbm:s0], [sflag:s3] =	dma.local [spmem:s1], $0x8000  }
0xff: {  	s1 =	sld [smem:$0x7F2];
	_ =	sdelay $0x1  }
0x100: {  	s0 =	rddreg [dreg:$0x8]  }
0x101: {  	[hbm:s0], [sflag:s3] =	dma.local [spmem:s1], $0x8000  }
0x102: {  	s1 =	sld [smem:$0x7F3];
	_ =	sdelay $0x1  }
0x103: {  	s0 =	rddreg [dreg:$0x9]  }
0x104: {  	[hbm:s0], [sflag:s3] =	dma.local [spmem:s1], $0x8000  }
0x105: {  	s1 =	sld [smem:$0x7F4];
	_ =	sdelay $0x1  }
0x106: {  	s0 =	rddreg [dreg:$0xa]  }
0x107: {  	[hbm:s0], [sflag:s3] =	dma.local [spmem:s1], $0x8000  }
0x108: {  	s1 =	sld [smem:$0x7F5];
	_ =	sdelay $0x1  }
0x109: {  	s0 =	rddreg [dreg:$0xb]  }
0x10a: {  	[hbm:s0], [sflag:s3] =	dma.local [spmem:s1], $0x8000  }
0x10b: {  	s1 =	sld [smem:$0x7F6];
	_ =	sdelay $0x1  }
0x10c: {  	s0 =	rddreg [dreg:$0xc]  }
0x10d: {  	[hbm:s0], [sflag:s3] =	dma.local [spmem:s1], $0x8000  }
0x10e: {  	s1 =	sld [smem:$0x7F7];
	_ =	sdelay $0x1  }
0x10f: {  	s0 =	rddreg [dreg:$0xd]  }
0x110: {  	[hbm:s0], [sflag:s3] =	dma.local [spmem:s1], $0x8000  }
0x111: {  	s0 =	rddreg [dreg:$0xe]  }
0x112: {  	[hbm:s0], [sflag:s3] =	dma.local [spmem:s5], $0x8000  }
0x113: {  	s0 =	rddreg [dreg:$0xf]  }
0x114: {  	[hbm:s0], [sflag:s3] =	dma.local [spmem:s6], $0x8000  }
0x115: {  	s0 =	rddreg [dreg:$0x10]  }
0x116: {  	[hbm:s0], [sflag:s3] =	dma.local [spmem:s7], $0x8000  }
0x117: {  	s0 =	rddreg [dreg:$0x11]  }
0x118: {  	[hbm:s0], [sflag:s3] =	dma.local [spmem:s8], $0x8000  }
0x119: {  	s0 =	rddreg [dreg:$0x12]  }
0x11a: {  	[hbm:s0], [sflag:s3] =	dma.local [spmem:s9], $0x8000  }
0x11b: {  	s0 =	rddreg [dreg:$0x13]  }
0x11c: {  	[hbm:s0], [sflag:s3] =	dma.local [spmem:s10], $0x8000  }
0x11d: {  	s0 =	rddreg [dreg:$0x14]  }
0x11e: {  	[hbm:s0], [sflag:s3] =	dma.local [spmem:s11], $0x8000  }
0x11f: {  	s0 =	rddreg [dreg:$0x15]  }
0x120: {  	[hbm:s0], [sflag:s3] =	dma.local [spmem:s12], $0x8000  }
0x121: {  	s0 =	rddreg [dreg:$0x16]  }
0x122: {  	[hbm:s0], [sflag:s3] =	dma.local [spmem:s13], $0x8000  }
0x123: {  	s0 =	rddreg [dreg:$0x17]  }
0x124: {  	[hbm:s0], [sflag:s3] =	dma.local [spmem:s14], $0x8000  }
0x125: {  	s0 =	rddreg [dreg:$0x18]  }
0x126: {  	[hbm:s0], [sflag:s3] =	dma.local [spmem:s15], $0x8000  }
0x127: {  	s0 =	rddreg [dreg:$0x19]  }
0x128: {  	[hbm:s0], [sflag:s3] =	dma.local [spmem:s16], $0x8000  }
0x129: {  	s0 =	rddreg [dreg:$0x1a]  }
0x12a: {  	[hbm:s0], [sflag:s3] =	dma.local [spmem:s17], $0x8000  }
0x12b: {  	s0 =	rddreg [dreg:$0x1b]  }
0x12c: {  	[hbm:s0], [sflag:s3] =	dma.local [spmem:s18], $0x8000  }
0x12d: {  	s0 =	rddreg [dreg:$0x1c]  }
0x12e: {  	[hbm:s0], [sflag:s3] =	dma.local [spmem:s19], $0x8000  }
0x12f: {  	s0 =	rddreg [dreg:$0x1d]  }
0x130: {  	[hbm:s0], [sflag:s3] =	dma.local [spmem:s20], $0x8000  }
0x131: {  	s0 =	rddreg [dreg:$0x1e]  }
0x132: {  	[hbm:s0], [sflag:s3] =	dma.local [spmem:s21], $0x8000  }
0x133: {  	s0 =	rddreg [dreg:$0x1f]  }
0x134: {  	[hbm:s0], [sflag:s3] =	dma.local [spmem:s22], $0x8000  }
0x135: {  	s0 =	sld [smem:$0x7F8];
	_ =	sdelay $0x2  }
0x136: {  	[hbm:s0], [sflag:s3] =	dma.local [spmem:s23], $0x8000  }
0x137: {  	s0 =	sld [smem:$0x7F9];
	_ =	sdelay $0x2  }
0x138: {  	[hbm:s0], [sflag:s3] =	dma.local [spmem:s24], $0x8000  }
0x139: {  	s0 =	sld [smem:$0x7FA];
	_ =	sdelay $0x2  }
0x13a: {  	[hbm:s0], [sflag:s3] =	dma.local [spmem:s25], $0x8000  }
0x13b: {  	s0 =	sld [smem:$0x7FB];
	_ =	sdelay $0x2  }
0x13c: {  	[hbm:s0], [sflag:s3] =	dma.local [spmem:s26], $0x8000  }
0x13d: {  	s0 =	sld [smem:$0x7FC];
	_ =	sdelay $0x2  }
0x13e: {  	[hbm:s0], [sflag:s3] =	dma.local [spmem:s29], $0x8000  }
0x13f: {  	s0 =	sld [smem:$0x7FD];
	_ =	sdelay $0x2  }
0x140: {  	[hbm:s0], [sflag:s3] =	dma.local [spmem:s30], $0x8000  }
0x141: {  	_ =	swait.ge [sflag:s28], $0x8000  }
0x142: {  	[sflag:s28] =	ssyncset.done $0x0  }
0x143: {  	[sflag:s28] =	ssyncadd.s32 $0xFFFF8000  }
0x144: {  	_ =	swait.ge [sflag:s28], $0x8000  }
0x145: {  	[sflag:s28] =	ssyncset.done $0x0  }
0x146: {  	[sflag:s28] =	ssyncadd.s32 $0xFFFF8000  }
0x147: {  	_ =	swait.ge [sflag:s28], $0x8000  }
0x148: {  	[sflag:s28] =	ssyncset.done $0x0  }
0x149: {  	[sflag:s28] =	ssyncadd.s32 $0xFFFF8000  }
0x14a: {  	_ =	swait.ge [sflag:s28], $0x8000  }
0x14b: {  	[sflag:s28] =	ssyncset.done $0x0  }
0x14c: {  	[sflag:s28] =	ssyncadd.s32 $0xFFFF8000  }
0x14d: {  	_ =	swait.ge [sflag:s28], $0x8000  }
0x14e: {  	[sflag:s28] =	ssyncset.done $0x0  }
0x14f: {  	[sflag:s28] =	ssyncadd.s32 $0xFFFF8000  }
0x150: {  	_ =	swait.ge [sflag:s28], $0x8000  }
0x151: {  	[sflag:s28] =	ssyncset.done $0x0  }
0x152: {  	[sflag:s28] =	ssyncadd.s32 $0xFFFF8000  }
0x153: {  	_ =	swait.ge [sflag:s28], $0x8000  }
0x154: {  	[sflag:s28] =	ssyncset.done $0x0  }
0x155: {  	[sflag:s28] =	ssyncadd.s32 $0xFFFF8000  }
0x156: {  	_ =	swait.ge [sflag:s28], $0x8000  }
0x157: {  	[sflag:s28] =	ssyncset.done $0x0  }
0x158: {  	[sflag:s28] =	ssyncadd.s32 $0xFFFF8000  }
0x159: {  	_ =	swait.ge [sflag:s28], $0x8000  }
0x15a: {  	[sflag:s28] =	ssyncset.done $0x0  }
0x15b: {  	[sflag:s28] =	ssyncadd.s32 $0xFFFF8000  }
0x15c: {  	_ =	swait.ge [sflag:s28], $0x8000  }
0x15d: {  	[sflag:s28] =	ssyncset.done $0x0  }
0x15e: {  	[sflag:s28] =	ssyncadd.s32 $0xFFFF8000  }
0x15f: {  	_ =	swait.ge [sflag:s28], $0x8000  }
0x160: {  	[sflag:s28] =	ssyncset.done $0x0  }
0x161: {  	[sflag:s28] =	ssyncadd.s32 $0xFFFF8000  }
0x162: {  	_ =	swait.ge [sflag:s28], $0x8000  }
0x163: {  	[sflag:s28] =	ssyncset.done $0x0  }
0x164: {  	[sflag:s28] =	ssyncadd.s32 $0xFFFF8000  }
0x165: {  	_ =	swait.ge [sflag:s28], $0x8000  }
0x166: {  	[sflag:s28] =	ssyncset.done $0x0  }
0x167: {  	[sflag:s28] =	ssyncadd.s32 $0xFFFF8000  }
0x168: {  	_ =	swait.ge [sflag:s28], $0x8000  }
0x169: {  	[sflag:s28] =	ssyncset.done $0x0  }
0x16a: {  	[sflag:s28] =	ssyncadd.s32 $0xFFFF8000  }
0x16b: {  	_ =	swait.ge [sflag:s28], $0x8000  }
0x16c: {  	[sflag:s28] =	ssyncset.done $0x0  }
0x16d: {  	[sflag:s28] =	ssyncadd.s32 $0xFFFF8000  }
0x16e: {  	_ =	swait.ge [sflag:s28], $0x8000  }
0x16f: {  	[sflag:s28] =	ssyncset.done $0x0  }
0x170: {  	[sflag:s28] =	ssyncadd.s32 $0xFFFF8000  }
0x171: {  	_ =	swait.ge [sflag:s28], $0x8000  }
0x172: {  	[sflag:s28] =	ssyncset.done $0x0  }
0x173: {  	[sflag:s28] =	ssyncadd.s32 $0xFFFF8000  }
0x174: {  	_ =	swait.ge [sflag:s28], $0x8000  }
0x175: {  	[sflag:s28] =	ssyncset.done $0x0  }
0x176: {  	[sflag:s28] =	ssyncadd.s32 $0xFFFF8000  }
0x177: {  	_ =	swait.ge [sflag:s28], $0x8000  }
0x178: {  	[sflag:s28] =	ssyncset.done $0x0  }
0x179: {  	[sflag:s28] =	ssyncadd.s32 $0xFFFF8000  }
0x17a: {  	_ =	swait.ge [sflag:s28], $0x8000  }
0x17b: {  	[sflag:s28] =	ssyncset.done $0x0  }
0x17c: {  	[sflag:s28] =	ssyncadd.s32 $0xFFFF8000  }
0x17d: {  	_ =	swait.ge [sflag:s28], $0x8000  }
0x17e: {  	[sflag:s28] =	ssyncset.done $0x0  }
0x17f: {  	[sflag:s28] =	ssyncadd.s32 $0xFFFF8000  }
0x180: {  	_ =	swait.ge [sflag:s28], $0x8000  }
0x181: {  	[sflag:s28] =	ssyncset.done $0x0  }
0x182: {  	[sflag:s28] =	ssyncadd.s32 $0xFFFF8000  }
0x183: {  	_ =	swait.ge [sflag:s28], $0x8000  }
0x184: {  	[sflag:s28] =	ssyncset.done $0x0  }
0x185: {  	[sflag:s28] =	ssyncadd.s32 $0xFFFF8000  }
0x186: {  	_ =	swait.ge [sflag:s28], $0x8000  }
0x187: {  	[sflag:s28] =	ssyncset.done $0x0  }
0x188: {  	[sflag:s28] =	ssyncadd.s32 $0xFFFF8000  }
0x189: {  	_ =	swait.ge [sflag:s28], $0x8000  }
0x18a: {  	[sflag:s28] =	ssyncset.done $0x0  }
0x18b: {  	[sflag:s28] =	ssyncadd.s32 $0xFFFF8000  }
0x18c: {  	_ =	swait.ge [sflag:s28], $0x8000  }
0x18d: {  	[sflag:s28] =	ssyncset.done $0x0  }
0x18e: {  	[sflag:s28] =	ssyncadd.s32 $0xFFFF8000  }
0x18f: {  	_ =	swait.ge [sflag:s28], $0x8000  }
0x190: {  	[sflag:s28] =	ssyncset.done $0x0  }
0x191: {  	[sflag:s28] =	ssyncadd.s32 $0xFFFF8000  }
0x192: {  	_ =	swait.ge [sflag:s28], $0x8000  }
0x193: {  	p0 =	sne.s32 s31, $0x1;
	[sflag:s28] =	ssyncset.done $0x0  }
.Ltmp1:
0x194: {  	[sflag:s28] =	ssyncadd.s32 $0xFFFF8000;
	(pc) =	sbr.rel @p0 .LBB2_1-.Ltmp1, $4  }
0x195: {  	_ =	swait.ge [sflag:s28], $0x8000  }
0x196: {  	[sflag:s28] =	ssyncset.done $0x0  }
0x197: {  	[sflag:s28] =	ssyncadd.s32 $0xFFFF8000  }
0x198: {  	s31 =	sadd.s32 $0xFFFFFFFF, s31;
	_ =	swait.ge [sflag:s28], $0x8000  }
.LBB2_2:
0x199: {  	[sflag:s28] =	ssyncset.done $0x0  }
0x19a: {  	[sflag:s28] =	ssyncadd.s32 $0xFFFF8000  }
0x19b: {  	_ =	swait.ge [sflag:s28], $0x8000  }
0x19c: {  	[sflag:s28] =	ssyncset.done $0x0  }
0x19d: {  	[sflag:s28] =	ssyncadd.s32 $0xFFFF8000  }
0x19e: {  	_ =	swait.ge [sflag:s28], $0x8000  }
0x19f: {  	[sflag:s28] =	ssyncset.done $0x0  }
0x1a0: {  	[sflag:s28] =	ssyncadd.s32 $0xFFFF8000  }
0x1a1: {  	_ =	sfence.sel $0x180000  }
0x1a2: {  	[bflag:$0x0] =	sbarrier.arrive $0xFFFF  }
0x1a3: {  	_ =	strace $0x90000047  }
0x1a4: {  	s0 =	stileid.u32;
	[bflag:$0x2] =	sbarrier.arrive $0xFFFF  }
0x1a5: {  	p0 =	sne.s32 s0, $0x0;
	s0 =	rddreg [dreg:$0x3]  }
0x1a6: {  	s0 =	sadd.s32 @!p0 $0x100000, s0  }
0x1a7: {  	[sflag:s0] =	ssyncadd.tile.s32 @!p0 $0x1;
	_ =	shalt  }
.Lfunc_end2:
_tile_overlayer_lowered:
.L_overlay_start_2:
0x1a8: {  	(tag) =	ssettag $0x2  }
0x1a9: {  	s0 =	rddreg [dreg:$0x0];
	s2 =	stileid.u32  }
0x1aa: {  	s1 =	rddreg [dreg:$0x1];
	p0 =	sne.s32 s2, $0x0  }
0x1ab: {  	s3 =	rddreg [dreg:$0x2];
	[bflag:$0x3] =	sbarrier.arrive $0xFFFF;
	s2 =	simm.s32 @!p0 $0x1C02  }
0x1ac: {  	[timem:s3], [sflag:s2] =	dma.local @!p0 [hbm:s0], s1  }
0x1ad: {  	s0 =	simm.s32 @!p0 $0x2  }
0x1ae: {  	_ =	swait.ge @!p0 [sflag:s0], s1  }
0x1af: {  	s1 =	ssub.s32 @!p0 $0x0, s1;
	[sflag:s0] =	ssyncset.done @!p0 $0x0  }
0x1b0: {  	[sflag:s0] =	ssyncadd.s32 @!p0 s1  }
0x1b1: {  	[bflag:$0x3] =	sbarrier.arrive $0xFFFF  }
0x1b2: {  	_ =	shalt  }

</sc_bundles>
